<compile_context>
chip_gen: v7x
topology: tpu7x:2x2x1
jax: 0.10.2.dev20260603
libtpu: 0.0.44.dev20260713+nightly
codegen_flags: <defaults>
</compile_context>

<pallas_src>
import functools

import jax
import jax.numpy as jnp
from jax import lax
from jax.experimental import pallas as pl
from jax.experimental.pallas import tpu as pltpu
from jax.experimental.pallas import tpu_sc as plsc

_NUM_CODES = 8192
_CODE_DIM = 256
_TOKENS = 16384
_HALF = _TOKENS // 2
_T_BLK = 256
_C_BLK = 2048
_N_CHUNKS = _NUM_CODES // _C_BLK
_S_BLK = 128
_N_SLICES = _C_BLK // _S_BLK


def _argmin_body(x_ref, e_ref, l2e_ref, codes_ref):
    x = x_ref[...]
    xm2 = -2.0 * x
    l2x = jnp.sum(x * x, axis=1, keepdims=True)

    best_val = jnp.full((_T_BLK, _S_BLK), jnp.inf, dtype=jnp.float32)
    best_g = jnp.zeros((_T_BLK, _S_BLK), dtype=jnp.float32)

    for c in range(_N_CHUNKS):
        ec = e_ref[pl.ds(c * _C_BLK, _C_BLK), :]
        nd2 = lax.dot_general(
            xm2, ec, (((1,), (1,)), ((), ())),
            preferred_element_type=jnp.float32)
        for s in range(_N_SLICES):
            g = c * _N_SLICES + s
            l2e = l2e_ref[:, pl.ds(g * _S_BLK, _S_BLK)]
            dist = (l2x + l2e) + nd2[:, s * _S_BLK:(s + 1) * _S_BLK]
            take = dist < best_val
            best_val = jnp.where(take, dist, best_val)
            best_g = jnp.where(take, jnp.float32(g), best_g)

    lane = lax.broadcasted_iota(
        jnp.int32, (_T_BLK, _S_BLK), 1).astype(jnp.float32)
    full_idx = best_g * jnp.float32(_S_BLK) + lane
    m = jnp.min(best_val, axis=1, keepdims=True)
    idx = jnp.min(
        jnp.where(best_val <= m, full_idx, jnp.float32(_NUM_CODES)),
        axis=1, keepdims=True)
    codes_ref[...] = idx.astype(jnp.int32)


def _tc_codes(x, e, l2e):
    n_tok = x.shape[0]
    return pl.pallas_call(
        _argmin_body,
        grid=(n_tok // _T_BLK,),
        in_specs=[
            pl.BlockSpec((_T_BLK, _CODE_DIM), lambda i: (i, 0)),
            pl.BlockSpec((_NUM_CODES, _CODE_DIM), lambda i: (0, 0)),
            pl.BlockSpec((1, _NUM_CODES), lambda i: (0, 0)),
        ],
        out_specs=pl.BlockSpec((_T_BLK, 1), lambda i: (i, 0)),
        out_shape=jax.ShapeDtypeStruct((n_tok, 1), jnp.int32),
    )(x, e, l2e)


_NW = 32
_G_CHUNK = 128


@functools.cache
def _sc_gather_kernel(n_rows):
    rows_per_w = n_rows // _NW

    @functools.partial(
        pl.kernel,
        out_type=jax.ShapeDtypeStruct((n_rows, _CODE_DIM), jnp.float32),
        mesh=plsc.VectorSubcoreMesh(
            core_axis_name="c", subcore_axis_name="s",
            num_cores=2, num_subcores=16),
        scratch_types=[
            pltpu.VMEM((rows_per_w,), jnp.int32),
            pltpu.VMEM((_G_CHUNK, _CODE_DIM), jnp.float32),
            pltpu.VMEM((_G_CHUNK, _CODE_DIM), jnp.float32),
            pltpu.SemaphoreType.DMA,
            pltpu.SemaphoreType.DMA,
            pltpu.SemaphoreType.DMA,
            pltpu.SemaphoreType.DMA,
        ],
    )
    def _sc_gather(table_hbm, idx_hbm, out_hbm,
                   idx_all, rows0, rows1, gs0, gs1, os0, os1):
        wid = lax.axis_index("s") * 2 + lax.axis_index("c")
        base = wid * rows_per_w
        n = rows_per_w // _G_CHUNK
        rows, gs, os = [rows0, rows1], [gs0, gs1], [os0, os1]
        pltpu.sync_copy(idx_hbm.at[pl.ds(base, rows_per_w)], idx_all)
        gh = [
            pltpu.async_copy(
                table_hbm.at[idx_all.at[pl.ds(g * _G_CHUNK, _G_CHUNK)]],
                rows[g], gs[g])
            for g in range(min(2, n))
        ]
        oh = [None, None]
        for g in range(n):
            b = g % 2
            gh[b].wait()
            oh[b] = pltpu.async_copy(
                rows[b], out_hbm.at[pl.ds(base + g * _G_CHUNK, _G_CHUNK)],
                os[b])
            if g + 2 < n:
                oh[b].wait()
                gh[b] = pltpu.async_copy(
                    table_hbm.at[
                        idx_all.at[pl.ds((g + 2) * _G_CHUNK, _G_CHUNK)]],
                    rows[b], gs[b])
        oh[0].wait()
        if n > 1:
            oh[1].wait()

    return _sc_gather


def kernel(inputs, embeddings):
    x = inputs.reshape(_TOKENS, _CODE_DIM)
    l2e = jnp.sum(embeddings ** 2, axis=-1).reshape(1, _NUM_CODES)
    gather = _sc_gather_kernel(_TOKENS)
    codes = _tc_codes(x, embeddings, l2e)
    out = gather(embeddings, codes.reshape(_TOKENS))
    return out.reshape(inputs.shape)

# --- scband reference (transcript-rebuilt; emitter-appended) ---
"""Pipeline reference for scband-vector-quantizer-34677565948518 (READ-ONLY COPY).

The authoritative reference and input builder live on the scoring server;
editing this copy changes nothing except your own understanding.
"""

import jax, jax.numpy as jnp
import numpy as np

NUM_CODES = 8192
CODE_DIM = 256

def setup_inputs(seed: int = 0) -> dict:
    key = jax.random.key(seed)
    k1, k2 = jax.random.split(key)
    inputs = jax.random.normal(k1, (16, 32, 32, CODE_DIM), dtype=jnp.float32)
    # keras 'uniform' initializer: RandomUniform(-0.05, 0.05)
    embeddings = jax.random.uniform(k2, (NUM_CODES, CODE_DIM), dtype=jnp.float32, minval=-0.05, maxval=0.05)
    return {"inputs": inputs, "embeddings": embeddings}

def reference(inputs, embeddings):
    # l2 norms
    l2_inputs = jnp.sum(inputs ** 2, axis=-1, keepdims=True)          # [B,H,W,1]
    l2_embeddings = jnp.sum(embeddings ** 2, axis=-1)                  # [K]
    l2_embeddings = l2_embeddings.reshape((1, 1, 1, -1))               # broadcast like expand_dims loop
    # dot: inputs @ embeddings.T
    dot = jnp.dot(inputs, embeddings.T)                                # [B,H,W,K]
    distance = l2_inputs + l2_embeddings - 2.0 * dot
    codes = jnp.argmin(distance, axis=-1).astype(jnp.int32)           # [B,H,W]
    code_vecs = jnp.take(embeddings, codes, axis=0)                    # [B,H,W,dim]
    return code_vecs

if __name__ == "__main__":
    import jax
    _d = setup_inputs()
    print(jax.jit(kernel)(*tuple(_d.values())))

</pallas_src>

<mosaic_0001>
#map = affine_map<(d0, d1) -> (0, 0)>
#map1 = affine_map<(d0, d1) -> (0)>
module attributes {stable_mosaic.version = 14 : i64} {
  func.func @_sc_gather(%arg0: i32, %arg1: i32, %arg2: memref<8192x256xf32, #tpu.memory_space<hbm>>, %arg3: memref<16384xi32, #tpu.memory_space<hbm>>, %arg4: memref<16384x256xf32, #tpu.memory_space<hbm>>, %arg5: memref<512xi32, #tpu.memory_space<vmem>>, %arg6: memref<128x256xf32, #tpu.memory_space<vmem>>, %arg7: memref<128x256xf32, #tpu.memory_space<vmem>>, %arg8: memref<!tpu.dma_semaphore, #tpu.memory_space<semaphore_mem>>, %arg9: memref<!tpu.dma_semaphore, #tpu.memory_space<semaphore_mem>>, %arg10: memref<!tpu.dma_semaphore, #tpu.memory_space<semaphore_mem>>, %arg11: memref<!tpu.dma_semaphore, #tpu.memory_space<semaphore_mem>>) attributes {dimension_semantics = [#tpu.dimension_semantics<core_parallel>, #tpu.dimension_semantics<subcore_parallel>], iteration_bounds = array<i64: 2, 16>, scalar_prefetch = 0 : i64, scratch_operands = 7 : i64, tpu.core_type = #tpu.core_type<sc_vector_subcore>, window_params = [{transform_indices = #map}, {transform_indices = #map1}, {transform_indices = #map}]} {
    %mul3A = arith.constant 2 : i32
    %mul3A_0 = arith.muli %arg1, %mul3A : i32
    %add3A = arith.addi %mul3A_0, %arg0 : i32
    %mul3A_1 = arith.constant 512 : i32
    %mul3A_2 = arith.muli %add3A, %mul3A_1 : i32
    "tpu.region"() ({
      %run_scoped3A = tpu.sem_alloc : memref<!tpu.dma_semaphore, #tpu.memory_space<semaphore_mem>>
      %dma_start3A_81 = tpu.memref_slice %arg3[%mul3A_2] : memref<16384xi32, #tpu.memory_space<hbm>> -> memref<512xi32, #tpu.memory_space<hbm>>
      %dma_start3A_82 = tpu.memref_slice %arg3[%mul3A_2] : memref<16384xi32, #tpu.memory_space<hbm>> -> memref<512xi32, #tpu.memory_space<hbm>>
      tpu.enqueue_dma source(%dma_start3A_82 : memref<512xi32, #tpu.memory_space<hbm>>) target(%arg5 : memref<512xi32, #tpu.memory_space<vmem>>) target_semaphore(%run_scoped3A : memref<!tpu.dma_semaphore, #tpu.memory_space<semaphore_mem>>)
      %dma_wait3A_83 = tpu.memref_slice %arg3[%mul3A_2] : memref<16384xi32, #tpu.memory_space<hbm>> -> memref<512xi32, #tpu.memory_space<hbm>>
      %dma_wait3A_84 = tpu.memref_slice %arg3[%mul3A_2] : memref<16384xi32, #tpu.memory_space<hbm>> -> memref<512xi32, #tpu.memory_space<hbm>>
      tpu.wait_dma2 semaphore(%run_scoped3A : memref<!tpu.dma_semaphore, #tpu.memory_space<semaphore_mem>>) src(%dma_wait3A_84 : memref<512xi32, #tpu.memory_space<hbm>>) dst(%arg5 : memref<512xi32, #tpu.memory_space<vmem>>)
      tpu.yield
    }) : () -> ()
    %dma_start3A = arith.constant 0 : i32
    %dma_start3A_3 = tpu.memref_slice %arg5[%dma_start3A] : memref<512xi32, #tpu.memory_space<vmem>> -> memref<128xi32, #tpu.memory_space<vmem>>
    %dma_start3A_4 = arith.constant 0 : i32
    %dma_start3A_5 = arith.constant 0 : i32
    %dma_start3A_6 = tpu.memref_slice %arg2[%dma_start3A_4, %dma_start3A_5] : memref<8192x256xf32, #tpu.memory_space<hbm>> -> memref<8192x256xf32, #tpu.memory_space<hbm>>
    tpu.enqueue_indirect_dma source(%dma_start3A_6 : memref<8192x256xf32, #tpu.memory_space<hbm>>) target(%arg6 : memref<128x256xf32, #tpu.memory_space<vmem>>) offsets(%dma_start3A_3 : memref<128xi32, #tpu.memory_space<vmem>>) semaphore(%arg8 : memref<!tpu.dma_semaphore, #tpu.memory_space<semaphore_mem>>)
    %dma_start3A_7 = arith.constant 128 : i32
    %dma_start3A_8 = tpu.memref_slice %arg5[%dma_start3A_7] : memref<512xi32, #tpu.memory_space<vmem>> -> memref<128xi32, #tpu.memory_space<vmem>>
    %dma_start3A_9 = arith.constant 0 : i32
    %dma_start3A_10 = arith.constant 0 : i32
    %dma_start3A_11 = tpu.memref_slice %arg2[%dma_start3A_9, %dma_start3A_10] : memref<8192x256xf32, #tpu.memory_space<hbm>> -> memref<8192x256xf32, #tpu.memory_space<hbm>>
    tpu.enqueue_indirect_dma source(%dma_start3A_11 : memref<8192x256xf32, #tpu.memory_space<hbm>>) target(%arg7 : memref<128x256xf32, #tpu.memory_space<vmem>>) offsets(%dma_start3A_8 : memref<128xi32, #tpu.memory_space<vmem>>) semaphore(%arg9 : memref<!tpu.dma_semaphore, #tpu.memory_space<semaphore_mem>>)
    %dma_wait3A = arith.constant 0 : i32
    %dma_wait3A_12 = tpu.memref_slice %arg5[%dma_wait3A] : memref<512xi32, #tpu.memory_space<vmem>> -> memref<128xi32, #tpu.memory_space<vmem>>
    %dma_wait3A_13 = arith.constant 0 : i32
    %dma_wait3A_14 = arith.constant 0 : i32
    %dma_wait3A_15 = tpu.memref_slice %arg2[%dma_wait3A_13, %dma_wait3A_14] : memref<8192x256xf32, #tpu.memory_space<hbm>> -> memref<8192x256xf32, #tpu.memory_space<hbm>>
    tpu.wait_indirect_dma semaphore(%arg8 : memref<!tpu.dma_semaphore, #tpu.memory_space<semaphore_mem>>) src(%dma_wait3A_15 : memref<8192x256xf32, #tpu.memory_space<hbm>>) dst(%arg6 : memref<128x256xf32, #tpu.memory_space<vmem>>)
    %add3A_16 = arith.constant 0 : i32
    %add3A_17 = arith.addi %mul3A_2, %add3A_16 : i32
    %dma_start3A_18 = arith.constant 0 : i32
    %dma_start3A_19 = tpu.memref_slice %arg4[%add3A_17, %dma_start3A_18] : memref<16384x256xf32, #tpu.memory_space<hbm>> -> memref<128x256xf32, #tpu.memory_space<hbm>>
    %dma_start3A_20 = arith.constant 0 : i32
    %dma_start3A_21 = tpu.memref_slice %arg4[%add3A_17, %dma_start3A_20] : memref<16384x256xf32, #tpu.memory_space<hbm>> -> memref<128x256xf32, #tpu.memory_space<hbm>>
    tpu.enqueue_dma source(%arg6 : memref<128x256xf32, #tpu.memory_space<vmem>>) target(%dma_start3A_21 : memref<128x256xf32, #tpu.memory_space<hbm>>) target_semaphore(%arg10 : memref<!tpu.dma_semaphore, #tpu.memory_space<semaphore_mem>>)
    %dma_wait3A_22 = arith.constant 0 : i32
    %dma_wait3A_23 = tpu.memref_slice %arg4[%add3A_17, %dma_wait3A_22] : memref<16384x256xf32, #tpu.memory_space<hbm>> -> memref<128x256xf32, #tpu.memory_space<hbm>>
    %dma_wait3A_24 = arith.constant 0 : i32
    %dma_wait3A_25 = tpu.memref_slice %arg4[%add3A_17, %dma_wait3A_24] : memref<16384x256xf32, #tpu.memory_space<hbm>> -> memref<128x256xf32, #tpu.memory_space<hbm>>
    tpu.wait_dma2 semaphore(%arg10 : memref<!tpu.dma_semaphore, #tpu.memory_space<semaphore_mem>>) src(%arg6 : memref<128x256xf32, #tpu.memory_space<vmem>>) dst(%dma_wait3A_25 : memref<128x256xf32, #tpu.memory_space<hbm>>)
    %dma_start3A_26 = arith.constant 256 : i32
    %dma_start3A_27 = tpu.memref_slice %arg5[%dma_start3A_26] : memref<512xi32, #tpu.memory_space<vmem>> -> memref<128xi32, #tpu.memory_space<vmem>>
    %dma_start3A_28 = arith.constant 0 : i32
    %dma_start3A_29 = arith.constant 0 : i32
    %dma_start3A_30 = tpu.memref_slice %arg2[%dma_start3A_28, %dma_start3A_29] : memref<8192x256xf32, #tpu.memory_space<hbm>> -> memref<8192x256xf32, #tpu.memory_space<hbm>>
    tpu.enqueue_indirect_dma source(%dma_start3A_30 : memref<8192x256xf32, #tpu.memory_space<hbm>>) target(%arg6 : memref<128x256xf32, #tpu.memory_space<vmem>>) offsets(%dma_start3A_27 : memref<128xi32, #tpu.memory_space<vmem>>) semaphore(%arg8 : memref<!tpu.dma_semaphore, #tpu.memory_space<semaphore_mem>>)
    %dma_wait3A_31 = arith.constant 128 : i32
    %dma_wait3A_32 = tpu.memref_slice %arg5[%dma_wait3A_31] : memref<512xi32, #tpu.memory_space<vmem>> -> memref<128xi32, #tpu.memory_space<vmem>>
    %dma_wait3A_33 = arith.constant 0 : i32
    %dma_wait3A_34 = arith.constant 0 : i32
    %dma_wait3A_35 = tpu.memref_slice %arg2[%dma_wait3A_33, %dma_wait3A_34] : memref<8192x256xf32, #tpu.memory_space<hbm>> -> memref<8192x256xf32, #tpu.memory_space<hbm>>
    tpu.wait_indirect_dma semaphore(%arg9 : memref<!tpu.dma_semaphore, #tpu.memory_space<semaphore_mem>>) src(%dma_wait3A_35 : memref<8192x256xf32, #tpu.memory_space<hbm>>) dst(%arg7 : memref<128x256xf32, #tpu.memory_space<vmem>>)
    %add3A_36 = arith.constant 128 : i32
    %add3A_37 = arith.addi %mul3A_2, %add3A_36 : i32
    %dma_start3A_38 = arith.constant 0 : i32
    %dma_start3A_39 = tpu.memref_slice %arg4[%add3A_37, %dma_start3A_38] : memref<16384x256xf32, #tpu.memory_space<hbm>> -> memref<128x256xf32, #tpu.memory_space<hbm>>
    %dma_start3A_40 = arith.constant 0 : i32
    %dma_start3A_41 = tpu.memref_slice %arg4[%add3A_37, %dma_start3A_40] : memref<16384x256xf32, #tpu.memory_space<hbm>> -> memref<128x256xf32, #tpu.memory_space<hbm>>
    tpu.enqueue_dma source(%arg7 : memref<128x256xf32, #tpu.memory_space<vmem>>) target(%dma_start3A_41 : memref<128x256xf32, #tpu.memory_space<hbm>>) target_semaphore(%arg11 : memref<!tpu.dma_semaphore, #tpu.memory_space<semaphore_mem>>)
    %dma_wait3A_42 = arith.constant 0 : i32
    %dma_wait3A_43 = tpu.memref_slice %arg4[%add3A_37, %dma_wait3A_42] : memref<16384x256xf32, #tpu.memory_space<hbm>> -> memref<128x256xf32, #tpu.memory_space<hbm>>
    %dma_wait3A_44 = arith.constant 0 : i32
    %dma_wait3A_45 = tpu.memref_slice %arg4[%add3A_37, %dma_wait3A_44] : memref<16384x256xf32, #tpu.memory_space<hbm>> -> memref<128x256xf32, #tpu.memory_space<hbm>>
    tpu.wait_dma2 semaphore(%arg11 : memref<!tpu.dma_semaphore, #tpu.memory_space<semaphore_mem>>) src(%arg7 : memref<128x256xf32, #tpu.memory_space<vmem>>) dst(%dma_wait3A_45 : memref<128x256xf32, #tpu.memory_space<hbm>>)
    %dma_start3A_46 = arith.constant 384 : i32
    %dma_start3A_47 = tpu.memref_slice %arg5[%dma_start3A_46] : memref<512xi32, #tpu.memory_space<vmem>> -> memref<128xi32, #tpu.memory_space<vmem>>
    %dma_start3A_48 = arith.constant 0 : i32
    %dma_start3A_49 = arith.constant 0 : i32
    %dma_start3A_50 = tpu.memref_slice %arg2[%dma_start3A_48, %dma_start3A_49] : memref<8192x256xf32, #tpu.memory_space<hbm>> -> memref<8192x256xf32, #tpu.memory_space<hbm>>
    tpu.enqueue_indirect_dma source(%dma_start3A_50 : memref<8192x256xf32, #tpu.memory_space<hbm>>) target(%arg7 : memref<128x256xf32, #tpu.memory_space<vmem>>) offsets(%dma_start3A_47 : memref<128xi32, #tpu.memory_space<vmem>>) semaphore(%arg9 : memref<!tpu.dma_semaphore, #tpu.memory_space<semaphore_mem>>)
    %dma_wait3A_51 = arith.constant 256 : i32
    %dma_wait3A_52 = tpu.memref_slice %arg5[%dma_wait3A_51] : memref<512xi32, #tpu.memory_space<vmem>> -> memref<128xi32, #tpu.memory_space<vmem>>
    %dma_wait3A_53 = arith.constant 0 : i32
    %dma_wait3A_54 = arith.constant 0 : i32
    %dma_wait3A_55 = tpu.memref_slice %arg2[%dma_wait3A_53, %dma_wait3A_54] : memref<8192x256xf32, #tpu.memory_space<hbm>> -> memref<8192x256xf32, #tpu.memory_space<hbm>>
    tpu.wait_indirect_dma semaphore(%arg8 : memref<!tpu.dma_semaphore, #tpu.memory_space<semaphore_mem>>) src(%dma_wait3A_55 : memref<8192x256xf32, #tpu.memory_space<hbm>>) dst(%arg6 : memref<128x256xf32, #tpu.memory_space<vmem>>)
    %add3A_56 = arith.constant 256 : i32
    %add3A_57 = arith.addi %mul3A_2, %add3A_56 : i32
    %dma_start3A_58 = arith.constant 0 : i32
    %dma_start3A_59 = tpu.memref_slice %arg4[%add3A_57, %dma_start3A_58] : memref<16384x256xf32, #tpu.memory_space<hbm>> -> memref<128x256xf32, #tpu.memory_space<hbm>>
    %dma_start3A_60 = arith.constant 0 : i32
    %dma_start3A_61 = tpu.memref_slice %arg4[%add3A_57, %dma_start3A_60] : memref<16384x256xf32, #tpu.memory_space<hbm>> -> memref<128x256xf32, #tpu.memory_space<hbm>>
    tpu.enqueue_dma source(%arg6 : memref<128x256xf32, #tpu.memory_space<vmem>>) target(%dma_start3A_61 : memref<128x256xf32, #tpu.memory_space<hbm>>) target_semaphore(%arg10 : memref<!tpu.dma_semaphore, #tpu.memory_space<semaphore_mem>>)
    %dma_wait3A_62 = arith.constant 384 : i32
    %dma_wait3A_63 = tpu.memref_slice %arg5[%dma_wait3A_62] : memref<512xi32, #tpu.memory_space<vmem>> -> memref<128xi32, #tpu.memory_space<vmem>>
    %dma_wait3A_64 = arith.constant 0 : i32
    %dma_wait3A_65 = arith.constant 0 : i32
    %dma_wait3A_66 = tpu.memref_slice %arg2[%dma_wait3A_64, %dma_wait3A_65] : memref<8192x256xf32, #tpu.memory_space<hbm>> -> memref<8192x256xf32, #tpu.memory_space<hbm>>
    tpu.wait_indirect_dma semaphore(%arg9 : memref<!tpu.dma_semaphore, #tpu.memory_space<semaphore_mem>>) src(%dma_wait3A_66 : memref<8192x256xf32, #tpu.memory_space<hbm>>) dst(%arg7 : memref<128x256xf32, #tpu.memory_space<vmem>>)
    %add3A_67 = arith.constant 384 : i32
    %add3A_68 = arith.addi %mul3A_2, %add3A_67 : i32
    %dma_start3A_69 = arith.constant 0 : i32
    %dma_start3A_70 = tpu.memref_slice %arg4[%add3A_68, %dma_start3A_69] : memref<16384x256xf32, #tpu.memory_space<hbm>> -> memref<128x256xf32, #tpu.memory_space<hbm>>
    %dma_start3A_71 = arith.constant 0 : i32
    %dma_start3A_72 = tpu.memref_slice %arg4[%add3A_68, %dma_start3A_71] : memref<16384x256xf32, #tpu.memory_space<hbm>> -> memref<128x256xf32, #tpu.memory_space<hbm>>
    tpu.enqueue_dma source(%arg7 : memref<128x256xf32, #tpu.memory_space<vmem>>) target(%dma_start3A_72 : memref<128x256xf32, #tpu.memory_space<hbm>>) target_semaphore(%arg11 : memref<!tpu.dma_semaphore, #tpu.memory_space<semaphore_mem>>)
    %dma_wait3A_73 = arith.constant 0 : i32
    %dma_wait3A_74 = tpu.memref_slice %arg4[%add3A_57, %dma_wait3A_73] : memref<16384x256xf32, #tpu.memory_space<hbm>> -> memref<128x256xf32, #tpu.memory_space<hbm>>
    %dma_wait3A_75 = arith.constant 0 : i32
    %dma_wait3A_76 = tpu.memref_slice %arg4[%add3A_57, %dma_wait3A_75] : memref<16384x256xf32, #tpu.memory_space<hbm>> -> memref<128x256xf32, #tpu.memory_space<hbm>>
    tpu.wait_dma2 semaphore(%arg10 : memref<!tpu.dma_semaphore, #tpu.memory_space<semaphore_mem>>) src(%arg6 : memref<128x256xf32, #tpu.memory_space<vmem>>) dst(%dma_wait3A_76 : memref<128x256xf32, #tpu.memory_space<hbm>>)
    %dma_wait3A_77 = arith.constant 0 : i32
    %dma_wait3A_78 = tpu.memref_slice %arg4[%add3A_68, %dma_wait3A_77] : memref<16384x256xf32, #tpu.memory_space<hbm>> -> memref<128x256xf32, #tpu.memory_space<hbm>>
    %dma_wait3A_79 = arith.constant 0 : i32
    %dma_wait3A_80 = tpu.memref_slice %arg4[%add3A_68, %dma_wait3A_79] : memref<16384x256xf32, #tpu.memory_space<hbm>> -> memref<128x256xf32, #tpu.memory_space<hbm>>
    tpu.wait_dma2 semaphore(%arg11 : memref<!tpu.dma_semaphore, #tpu.memory_space<semaphore_mem>>) src(%arg7 : memref<128x256xf32, #tpu.memory_space<vmem>>) dst(%dma_wait3A_80 : memref<128x256xf32, #tpu.memory_space<hbm>>)
    return
  }
}

module attributes {stable_mosaic.version = 14 : i64} {
  func.func @_argmin_body(%arg0: i32, %arg1: memref<256x256xf32, #tpu.memory_space<vmem>>, %arg2: memref<8192x256xf32, #tpu.memory_space<vmem>>, %arg3: memref<1x8192xf32, #tpu.memory_space<vmem>>, %arg4: memref<256x1xi32, #tpu.memory_space<vmem>>) attributes {dimension_semantics = [#tpu.dimension_semantics<arbitrary>], iteration_bounds = array<i64: 64>, scalar_prefetch = 0 : i64, scratch_operands = 0 : i64, tpu.core_type = #tpu.core_type<tc>, window_params = [{transform_indices = @transform_0, window_bounds = array<i64: 256, 256>}, {pipeline_mode = #tpu.pipeline_mode<synchronous>, transform_indices = @transform_1, window_bounds = array<i64: 8192, 256>}, {pipeline_mode = #tpu.pipeline_mode<synchronous>, transform_indices = @transform_2, window_bounds = array<i64: 1, 8192>}, {transform_indices = @transform_3, window_bounds = array<i64: 256, 1>}]} {
    %get3A = arith.constant 0 : index
    %get3A_0 = arith.constant 0 : index
    %get3A_1 = vector.load %arg1[%get3A, %get3A_0] : memref<256x256xf32, #tpu.memory_space<vmem>>, vector<256x256xf32>
    %mul3A = arith.constant -2.000000e+00 : f32
    %mul3A_2 = vector.broadcast %mul3A : f32 to vector<256x256xf32>
    %mul3A_3 = arith.mulf %mul3A_2, %get3A_1 : vector<256x256xf32>
    %mul3A_4 = arith.mulf %get3A_1, %get3A_1 : vector<256x256xf32>
    %reduce_sum3A = arith.constant dense<0.000000e+00> : vector<256xf32>
    %reduce_sum3A_5 = vector.multi_reduction <add>, %mul3A_4, %reduce_sum3A [1] : vector<256x256xf32> to vector<256xf32>
    %broadcast_in_dim3A = vector.shape_cast %reduce_sum3A_5 : vector<256xf32> to vector<256x1xf32>
    %broadcast_in_dim3A_6 = arith.constant 0x7F800000 : f32
    %broadcast_in_dim3A_7 = vector.broadcast %broadcast_in_dim3A_6 : f32 to vector<256x128xf32>
    %broadcast_in_dim3A_8 = arith.constant 0.000000e+00 : f32
    %broadcast_in_dim3A_9 = vector.broadcast %broadcast_in_dim3A_8 : f32 to vector<256x128xf32>
    %get3A_10 = arith.constant 0 : index
    %get3A_11 = arith.constant 0 : index
    %get3A_12 = vector.load %arg2[%get3A_10, %get3A_11] : memref<8192x256xf32, #tpu.memory_space<vmem>>, vector<2048x256xf32>
    %dot_general3A = arith.constant dense<0.000000e+00> : vector<256x2048xf32>
    %dot_general3A_13 = tpu.matmul %mul3A_3, %get3A_12, %dot_general3A {dimension_numbers = #tpu.dot_dimension_numbers<[1], [1], [0], [0], [0, 0, 1, 0], [], []>, transpose_lhs_hint = false} : vector<256x256xf32>, vector<2048x256xf32>, vector<256x2048xf32> -> vector<256x2048xf32>
    %get3A_14 = arith.constant 0 : index
    %get3A_15 = arith.constant 0 : index
    %get3A_16 = vector.load %arg3[%get3A_14, %get3A_15] : memref<1x8192xf32, #tpu.memory_space<vmem>>, vector<1x128xf32>
    %add3A = vector.broadcast %broadcast_in_dim3A : vector<256x1xf32> to vector<256x128xf32>
    %add3A_17 = vector.broadcast %get3A_16 : vector<1x128xf32> to vector<256x128xf32>
    %add3A_18 = arith.addf %add3A, %add3A_17 : vector<256x128xf32>
    %slice3A = vector.extract_strided_slice %dot_general3A_13 {offsets = [0, 0], sizes = [256, 128], strides = [1, 1]} : vector<256x2048xf32> to vector<256x128xf32>
    %add3A_19 = arith.addf %add3A_18, %slice3A : vector<256x128xf32>
    %lt3A = arith.cmpf olt, %add3A_19, %broadcast_in_dim3A_7 : vector<256x128xf32>
    %select_n3A = arith.select %lt3A, %add3A_19, %broadcast_in_dim3A_7 : vector<256x128xi1>, vector<256x128xf32>
    %jit3A = arith.constant 0.000000e+00 : f32
    %broadcast_in_dim3A_20 = vector.broadcast %jit3A : f32 to vector<256x128xf32>
    %select_n3A_21 = arith.select %lt3A, %broadcast_in_dim3A_20, %broadcast_in_dim3A_9 : vector<256x128xi1>, vector<256x128xf32>
    %get3A_22 = arith.constant 0 : index
    %get3A_23 = arith.constant 128 : index
    %get3A_24 = vector.load %arg3[%get3A_22, %get3A_23] : memref<1x8192xf32, #tpu.memory_space<vmem>>, vector<1x128xf32>
    %add3A_25 = vector.broadcast %broadcast_in_dim3A : vector<256x1xf32> to vector<256x128xf32>
    %add3A_26 = vector.broadcast %get3A_24 : vector<1x128xf32> to vector<256x128xf32>
    %add3A_27 = arith.addf %add3A_25, %add3A_26 : vector<256x128xf32>
    %slice3A_28 = vector.extract_strided_slice %dot_general3A_13 {offsets = [0, 128], sizes = [256, 128], strides = [1, 1]} : vector<256x2048xf32> to vector<256x128xf32>
    %add3A_29 = arith.addf %add3A_27, %slice3A_28 : vector<256x128xf32>
    %lt3A_30 = arith.cmpf olt, %add3A_29, %select_n3A : vector<256x128xf32>
    %select_n3A_31 = arith.select %lt3A_30, %add3A_29, %select_n3A : vector<256x128xi1>, vector<256x128xf32>
    %jit3A_32 = arith.constant 1.000000e+00 : f32
    %broadcast_in_dim3A_33 = vector.broadcast %jit3A_32 : f32 to vector<256x128xf32>
    %select_n3A_34 = arith.select %lt3A_30, %broadcast_in_dim3A_33, %select_n3A_21 : vector<256x128xi1>, vector<256x128xf32>
    %get3A_35 = arith.constant 0 : index
    %get3A_36 = arith.constant 256 : index
    %get3A_37 = vector.load %arg3[%get3A_35, %get3A_36] : memref<1x8192xf32, #tpu.memory_space<vmem>>, vector<1x128xf32>
    %add3A_38 = vector.broadcast %broadcast_in_dim3A : vector<256x1xf32> to vector<256x128xf32>
    %add3A_39 = vector.broadcast %get3A_37 : vector<1x128xf32> to vector<256x128xf32>
    %add3A_40 = arith.addf %add3A_38, %add3A_39 : vector<256x128xf32>
    %slice3A_41 = vector.extract_strided_slice %dot_general3A_13 {offsets = [0, 256], sizes = [256, 128], strides = [1, 1]} : vector<256x2048xf32> to vector<256x128xf32>
    %add3A_42 = arith.addf %add3A_40, %slice3A_41 : vector<256x128xf32>
    %lt3A_43 = arith.cmpf olt, %add3A_42, %select_n3A_31 : vector<256x128xf32>
    %select_n3A_44 = arith.select %lt3A_43, %add3A_42, %select_n3A_31 : vector<256x128xi1>, vector<256x128xf32>
    %jit3A_45 = arith.constant 2.000000e+00 : f32
    %broadcast_in_dim3A_46 = vector.broadcast %jit3A_45 : f32 to vector<256x128xf32>
    %select_n3A_47 = arith.select %lt3A_43, %broadcast_in_dim3A_46, %select_n3A_34 : vector<256x128xi1>, vector<256x128xf32>
    %get3A_48 = arith.constant 0 : index
    %get3A_49 = arith.constant 384 : index
    %get3A_50 = vector.load %arg3[%get3A_48, %get3A_49] : memref<1x8192xf32, #tpu.memory_space<vmem>>, vector<1x128xf32>
    %add3A_51 = vector.broadcast %broadcast_in_dim3A : vector<256x1xf32> to vector<256x128xf32>
    %add3A_52 = vector.broadcast %get3A_50 : vector<1x128xf32> to vector<256x128xf32>
    %add3A_53 = arith.addf %add3A_51, %add3A_52 : vector<256x128xf32>
    %slice3A_54 = vector.extract_strided_slice %dot_general3A_13 {offsets = [0, 384], sizes = [256, 128], strides = [1, 1]} : vector<256x2048xf32> to vector<256x128xf32>
    %add3A_55 = arith.addf %add3A_53, %slice3A_54 : vector<256x128xf32>
    %lt3A_56 = arith.cmpf olt, %add3A_55, %select_n3A_44 : vector<256x128xf32>
    %select_n3A_57 = arith.select %lt3A_56, %add3A_55, %select_n3A_44 : vector<256x128xi1>, vector<256x128xf32>
    %jit3A_58 = arith.constant 3.000000e+00 : f32
    %broadcast_in_dim3A_59 = vector.broadcast %jit3A_58 : f32 to vector<256x128xf32>
    %select_n3A_60 = arith.select %lt3A_56, %broadcast_in_dim3A_59, %select_n3A_47 : vector<256x128xi1>, vector<256x128xf32>
    %get3A_61 = arith.constant 0 : index
    %get3A_62 = arith.constant 512 : index
    %get3A_63 = vector.load %arg3[%get3A_61, %get3A_62] : memref<1x8192xf32, #tpu.memory_space<vmem>>, vector<1x128xf32>
    %add3A_64 = vector.broadcast %broadcast_in_dim3A : vector<256x1xf32> to vector<256x128xf32>
    %add3A_65 = vector.broadcast %get3A_63 : vector<1x128xf32> to vector<256x128xf32>
    %add3A_66 = arith.addf %add3A_64, %add3A_65 : vector<256x128xf32>
    %slice3A_67 = vector.extract_strided_slice %dot_general3A_13 {offsets = [0, 512], sizes = [256, 128], strides = [1, 1]} : vector<256x2048xf32> to vector<256x128xf32>
    %add3A_68 = arith.addf %add3A_66, %slice3A_67 : vector<256x128xf32>
    %lt3A_69 = arith.cmpf olt, %add3A_68, %select_n3A_57 : vector<256x128xf32>
    %select_n3A_70 = arith.select %lt3A_69, %add3A_68, %select_n3A_57 : vector<256x128xi1>, vector<256x128xf32>
    %jit3A_71 = arith.constant 4.000000e+00 : f32
    %broadcast_in_dim3A_72 = vector.broadcast %jit3A_71 : f32 to vector<256x128xf32>
    %select_n3A_73 = arith.select %lt3A_69, %broadcast_in_dim3A_72, %select_n3A_60 : vector<256x128xi1>, vector<256x128xf32>
    %get3A_74 = arith.constant 0 : index
    %get3A_75 = arith.constant 640 : index
    %get3A_76 = vector.load %arg3[%get3A_74, %get3A_75] : memref<1x8192xf32, #tpu.memory_space<vmem>>, vector<1x128xf32>
    %add3A_77 = vector.broadcast %broadcast_in_dim3A : vector<256x1xf32> to vector<256x128xf32>
    %add3A_78 = vector.broadcast %get3A_76 : vector<1x128xf32> to vector<256x128xf32>
    %add3A_79 = arith.addf %add3A_77, %add3A_78 : vector<256x128xf32>
    %slice3A_80 = vector.extract_strided_slice %dot_general3A_13 {offsets = [0, 640], sizes = [256, 128], strides = [1, 1]} : vector<256x2048xf32> to vector<256x128xf32>
    %add3A_81 = arith.addf %add3A_79, %slice3A_80 : vector<256x128xf32>
    %lt3A_82 = arith.cmpf olt, %add3A_81, %select_n3A_70 : vector<256x128xf32>
    %select_n3A_83 = arith.select %lt3A_82, %add3A_81, %select_n3A_70 : vector<256x128xi1>, vector<256x128xf32>
    %jit3A_84 = arith.constant 5.000000e+00 : f32
    %broadcast_in_dim3A_85 = vector.broadcast %jit3A_84 : f32 to vector<256x128xf32>
    %select_n3A_86 = arith.select %lt3A_82, %broadcast_in_dim3A_85, %select_n3A_73 : vector<256x128xi1>, vector<256x128xf32>
    %get3A_87 = arith.constant 0 : index
    %get3A_88 = arith.constant 768 : index
    %get3A_89 = vector.load %arg3[%get3A_87, %get3A_88] : memref<1x8192xf32, #tpu.memory_space<vmem>>, vector<1x128xf32>
    %add3A_90 = vector.broadcast %broadcast_in_dim3A : vector<256x1xf32> to vector<256x128xf32>
    %add3A_91 = vector.broadcast %get3A_89 : vector<1x128xf32> to vector<256x128xf32>
    %add3A_92 = arith.addf %add3A_90, %add3A_91 : vector<256x128xf32>
    %slice3A_93 = vector.extract_strided_slice %dot_general3A_13 {offsets = [0, 768], sizes = [256, 128], strides = [1, 1]} : vector<256x2048xf32> to vector<256x128xf32>
    %add3A_94 = arith.addf %add3A_92, %slice3A_93 : vector<256x128xf32>
    %lt3A_95 = arith.cmpf olt, %add3A_94, %select_n3A_83 : vector<256x128xf32>
    %select_n3A_96 = arith.select %lt3A_95, %add3A_94, %select_n3A_83 : vector<256x128xi1>, vector<256x128xf32>
    %jit3A_97 = arith.constant 6.000000e+00 : f32
    %broadcast_in_dim3A_98 = vector.broadcast %jit3A_97 : f32 to vector<256x128xf32>
    %select_n3A_99 = arith.select %lt3A_95, %broadcast_in_dim3A_98, %select_n3A_86 : vector<256x128xi1>, vector<256x128xf32>
    %get3A_100 = arith.constant 0 : index
    %get3A_101 = arith.constant 896 : index
    %get3A_102 = vector.load %arg3[%get3A_100, %get3A_101] : memref<1x8192xf32, #tpu.memory_space<vmem>>, vector<1x128xf32>
    %add3A_103 = vector.broadcast %broadcast_in_dim3A : vector<256x1xf32> to vector<256x128xf32>
    %add3A_104 = vector.broadcast %get3A_102 : vector<1x128xf32> to vector<256x128xf32>
    %add3A_105 = arith.addf %add3A_103, %add3A_104 : vector<256x128xf32>
    %slice3A_106 = vector.extract_strided_slice %dot_general3A_13 {offsets = [0, 896], sizes = [256, 128], strides = [1, 1]} : vector<256x2048xf32> to vector<256x128xf32>
    %add3A_107 = arith.addf %add3A_105, %slice3A_106 : vector<256x128xf32>
    %lt3A_108 = arith.cmpf olt, %add3A_107, %select_n3A_96 : vector<256x128xf32>
    %select_n3A_109 = arith.select %lt3A_108, %add3A_107, %select_n3A_96 : vector<256x128xi1>, vector<256x128xf32>
    %jit3A_110 = arith.constant 7.000000e+00 : f32
    %broadcast_in_dim3A_111 = vector.broadcast %jit3A_110 : f32 to vector<256x128xf32>
    %select_n3A_112 = arith.select %lt3A_108, %broadcast_in_dim3A_111, %select_n3A_99 : vector<256x128xi1>, vector<256x128xf32>
    %get3A_113 = arith.constant 0 : index
    %get3A_114 = arith.constant 1024 : index
    %get3A_115 = vector.load %arg3[%get3A_113, %get3A_114] : memref<1x8192xf32, #tpu.memory_space<vmem>>, vector<1x128xf32>
    %add3A_116 = vector.broadcast %broadcast_in_dim3A : vector<256x1xf32> to vector<256x128xf32>
    %add3A_117 = vector.broadcast %get3A_115 : vector<1x128xf32> to vector<256x128xf32>
    %add3A_118 = arith.addf %add3A_116, %add3A_117 : vector<256x128xf32>
    %slice3A_119 = vector.extract_strided_slice %dot_general3A_13 {offsets = [0, 1024], sizes = [256, 128], strides = [1, 1]} : vector<256x2048xf32> to vector<256x128xf32>
    %add3A_120 = arith.addf %add3A_118, %slice3A_119 : vector<256x128xf32>
    %lt3A_121 = arith.cmpf olt, %add3A_120, %select_n3A_109 : vector<256x128xf32>
    %select_n3A_122 = arith.select %lt3A_121, %add3A_120, %select_n3A_109 : vector<256x128xi1>, vector<256x128xf32>
    %jit3A_123 = arith.constant 8.000000e+00 : f32
    %broadcast_in_dim3A_124 = vector.broadcast %jit3A_123 : f32 to vector<256x128xf32>
    %select_n3A_125 = arith.select %lt3A_121, %broadcast_in_dim3A_124, %select_n3A_112 : vector<256x128xi1>, vector<256x128xf32>
    %get3A_126 = arith.constant 0 : index
    %get3A_127 = arith.constant 1152 : index
    %get3A_128 = vector.load %arg3[%get3A_126, %get3A_127] : memref<1x8192xf32, #tpu.memory_space<vmem>>, vector<1x128xf32>
    %add3A_129 = vector.broadcast %broadcast_in_dim3A : vector<256x1xf32> to vector<256x128xf32>
    %add3A_130 = vector.broadcast %get3A_128 : vector<1x128xf32> to vector<256x128xf32>
    %add3A_131 = arith.addf %add3A_129, %add3A_130 : vector<256x128xf32>
    %slice3A_132 = vector.extract_strided_slice %dot_general3A_13 {offsets = [0, 1152], sizes = [256, 128], strides = [1, 1]} : vector<256x2048xf32> to vector<256x128xf32>
    %add3A_133 = arith.addf %add3A_131, %slice3A_132 : vector<256x128xf32>
    %lt3A_134 = arith.cmpf olt, %add3A_133, %select_n3A_122 : vector<256x128xf32>
    %select_n3A_135 = arith.select %lt3A_134, %add3A_133, %select_n3A_122 : vector<256x128xi1>, vector<256x128xf32>
    %jit3A_136 = arith.constant 9.000000e+00 : f32
    %broadcast_in_dim3A_137 = vector.broadcast %jit3A_136 : f32 to vector<256x128xf32>
    %select_n3A_138 = arith.select %lt3A_134, %broadcast_in_dim3A_137, %select_n3A_125 : vector<256x128xi1>, vector<256x128xf32>
    %get3A_139 = arith.constant 0 : index
    %get3A_140 = arith.constant 1280 : index
    %get3A_141 = vector.load %arg3[%get3A_139, %get3A_140] : memref<1x8192xf32, #tpu.memory_space<vmem>>, vector<1x128xf32>
    %add3A_142 = vector.broadcast %broadcast_in_dim3A : vector<256x1xf32> to vector<256x128xf32>
    %add3A_143 = vector.broadcast %get3A_141 : vector<1x128xf32> to vector<256x128xf32>
    %add3A_144 = arith.addf %add3A_142, %add3A_143 : vector<256x128xf32>
    %slice3A_145 = vector.extract_strided_slice %dot_general3A_13 {offsets = [0, 1280], sizes = [256, 128], strides = [1, 1]} : vector<256x2048xf32> to vector<256x128xf32>
    %add3A_146 = arith.addf %add3A_144, %slice3A_145 : vector<256x128xf32>
    %lt3A_147 = arith.cmpf olt, %add3A_146, %select_n3A_135 : vector<256x128xf32>
    %select_n3A_148 = arith.select %lt3A_147, %add3A_146, %select_n3A_135 : vector<256x128xi1>, vector<256x128xf32>
    %jit3A_149 = arith.constant 1.000000e+01 : f32
    %broadcast_in_dim3A_150 = vector.broadcast %jit3A_149 : f32 to vector<256x128xf32>
    %select_n3A_151 = arith.select %lt3A_147, %broadcast_in_dim3A_150, %select_n3A_138 : vector<256x128xi1>, vector<256x128xf32>
    %get3A_152 = arith.constant 0 : index
    %get3A_153 = arith.constant 1408 : index
    %get3A_154 = vector.load %arg3[%get3A_152, %get3A_153] : memref<1x8192xf32, #tpu.memory_space<vmem>>, vector<1x128xf32>
    %add3A_155 = vector.broadcast %broadcast_in_dim3A : vector<256x1xf32> to vector<256x128xf32>
    %add3A_156 = vector.broadcast %get3A_154 : vector<1x128xf32> to vector<256x128xf32>
    %add3A_157 = arith.addf %add3A_155, %add3A_156 : vector<256x128xf32>
    %slice3A_158 = vector.extract_strided_slice %dot_general3A_13 {offsets = [0, 1408], sizes = [256, 128], strides = [1, 1]} : vector<256x2048xf32> to vector<256x128xf32>
    %add3A_159 = arith.addf %add3A_157, %slice3A_158 : vector<256x128xf32>
    %lt3A_160 = arith.cmpf olt, %add3A_159, %select_n3A_148 : vector<256x128xf32>
    %select_n3A_161 = arith.select %lt3A_160, %add3A_159, %select_n3A_148 : vector<256x128xi1>, vector<256x128xf32>
    %jit3A_162 = arith.constant 1.100000e+01 : f32
    %broadcast_in_dim3A_163 = vector.broadcast %jit3A_162 : f32 to vector<256x128xf32>
    %select_n3A_164 = arith.select %lt3A_160, %broadcast_in_dim3A_163, %select_n3A_151 : vector<256x128xi1>, vector<256x128xf32>
    %get3A_165 = arith.constant 0 : index
    %get3A_166 = arith.constant 1536 : index
    %get3A_167 = vector.load %arg3[%get3A_165, %get3A_166] : memref<1x8192xf32, #tpu.memory_space<vmem>>, vector<1x128xf32>
    %add3A_168 = vector.broadcast %broadcast_in_dim3A : vector<256x1xf32> to vector<256x128xf32>
    %add3A_169 = vector.broadcast %get3A_167 : vector<1x128xf32> to vector<256x128xf32>
    %add3A_170 = arith.addf %add3A_168, %add3A_169 : vector<256x128xf32>
    %slice3A_171 = vector.extract_strided_slice %dot_general3A_13 {offsets = [0, 1536], sizes = [256, 128], strides = [1, 1]} : vector<256x2048xf32> to vector<256x128xf32>
    %add3A_172 = arith.addf %add3A_170, %slice3A_171 : vector<256x128xf32>
    %lt3A_173 = arith.cmpf olt, %add3A_172, %select_n3A_161 : vector<256x128xf32>
    %select_n3A_174 = arith.select %lt3A_173, %add3A_172, %select_n3A_161 : vector<256x128xi1>, vector<256x128xf32>
    %jit3A_175 = arith.constant 1.200000e+01 : f32
    %broadcast_in_dim3A_176 = vector.broadcast %jit3A_175 : f32 to vector<256x128xf32>
    %select_n3A_177 = arith.select %lt3A_173, %broadcast_in_dim3A_176, %select_n3A_164 : vector<256x128xi1>, vector<256x128xf32>
    %get3A_178 = arith.constant 0 : index
    %get3A_179 = arith.constant 1664 : index
    %get3A_180 = vector.load %arg3[%get3A_178, %get3A_179] : memref<1x8192xf32, #tpu.memory_space<vmem>>, vector<1x128xf32>
    %add3A_181 = vector.broadcast %broadcast_in_dim3A : vector<256x1xf32> to vector<256x128xf32>
    %add3A_182 = vector.broadcast %get3A_180 : vector<1x128xf32> to vector<256x128xf32>
    %add3A_183 = arith.addf %add3A_181, %add3A_182 : vector<256x128xf32>
    %slice3A_184 = vector.extract_strided_slice %dot_general3A_13 {offsets = [0, 1664], sizes = [256, 128], strides = [1, 1]} : vector<256x2048xf32> to vector<256x128xf32>
    %add3A_185 = arith.addf %add3A_183, %slice3A_184 : vector<256x128xf32>
    %lt3A_186 = arith.cmpf olt, %add3A_185, %select_n3A_174 : vector<256x128xf32>
    %select_n3A_187 = arith.select %lt3A_186, %add3A_185, %select_n3A_174 : vector<256x128xi1>, vector<256x128xf32>
    %jit3A_188 = arith.constant 1.300000e+01 : f32
    %broadcast_in_dim3A_189 = vector.broadcast %jit3A_188 : f32 to vector<256x128xf32>
    %select_n3A_190 = arith.select %lt3A_186, %broadcast_in_dim3A_189, %select_n3A_177 : vector<256x128xi1>, vector<256x128xf32>
    %get3A_191 = arith.constant 0 : index
    %get3A_192 = arith.constant 1792 : index
    %get3A_193 = vector.load %arg3[%get3A_191, %get3A_192] : memref<1x8192xf32, #tpu.memory_space<vmem>>, vector<1x128xf32>
    %add3A_194 = vector.broadcast %broadcast_in_dim3A : vector<256x1xf32> to vector<256x128xf32>
    %add3A_195 = vector.broadcast %get3A_193 : vector<1x128xf32> to vector<256x128xf32>
    %add3A_196 = arith.addf %add3A_194, %add3A_195 : vector<256x128xf32>
    %slice3A_197 = vector.extract_strided_slice %dot_general3A_13 {offsets = [0, 1792], sizes = [256, 128], strides = [1, 1]} : vector<256x2048xf32> to vector<256x128xf32>
    %add3A_198 = arith.addf %add3A_196, %slice3A_197 : vector<256x128xf32>
    %lt3A_199 = arith.cmpf olt, %add3A_198, %select_n3A_187 : vector<256x128xf32>
    %select_n3A_200 = arith.select %lt3A_199, %add3A_198, %select_n3A_187 : vector<256x128xi1>, vector<256x128xf32>
    %jit3A_201 = arith.constant 1.400000e+01 : f32
    %broadcast_in_dim3A_202 = vector.broadcast %jit3A_201 : f32 to vector<256x128xf32>
    %select_n3A_203 = arith.select %lt3A_199, %broadcast_in_dim3A_202, %select_n3A_190 : vector<256x128xi1>, vector<256x128xf32>
    %get3A_204 = arith.constant 0 : index
    %get3A_205 = arith.constant 1920 : index
    %get3A_206 = vector.load %arg3[%get3A_204, %get3A_205] : memref<1x8192xf32, #tpu.memory_space<vmem>>, vector<1x128xf32>
    %add3A_207 = vector.broadcast %broadcast_in_dim3A : vector<256x1xf32> to vector<256x128xf32>
    %add3A_208 = vector.broadcast %get3A_206 : vector<1x128xf32> to vector<256x128xf32>
    %add3A_209 = arith.addf %add3A_207, %add3A_208 : vector<256x128xf32>
    %slice3A_210 = vector.extract_strided_slice %dot_general3A_13 {offsets = [0, 1920], sizes = [256, 128], strides = [1, 1]} : vector<256x2048xf32> to vector<256x128xf32>
    %add3A_211 = arith.addf %add3A_209, %slice3A_210 : vector<256x128xf32>
    %lt3A_212 = arith.cmpf olt, %add3A_211, %select_n3A_200 : vector<256x128xf32>
    %select_n3A_213 = arith.select %lt3A_212, %add3A_211, %select_n3A_200 : vector<256x128xi1>, vector<256x128xf32>
    %jit3A_214 = arith.constant 1.500000e+01 : f32
    %broadcast_in_dim3A_215 = vector.broadcast %jit3A_214 : f32 to vector<256x128xf32>
    %select_n3A_216 = arith.select %lt3A_212, %broadcast_in_dim3A_215, %select_n3A_203 : vector<256x128xi1>, vector<256x128xf32>
    %get3A_217 = arith.constant 2048 : index
    %get3A_218 = arith.constant 0 : index
    %get3A_219 = vector.load %arg2[%get3A_217, %get3A_218] : memref<8192x256xf32, #tpu.memory_space<vmem>>, vector<2048x256xf32>
    %dot_general3A_220 = arith.constant dense<0.000000e+00> : vector<256x2048xf32>
    %dot_general3A_221 = tpu.matmul %mul3A_3, %get3A_219, %dot_general3A_220 {dimension_numbers = #tpu.dot_dimension_numbers<[1], [1], [0], [0], [0, 0, 1, 0], [], []>, transpose_lhs_hint = false} : vector<256x256xf32>, vector<2048x256xf32>, vector<256x2048xf32> -> vector<256x2048xf32>
    %get3A_222 = arith.constant 0 : index
    %get3A_223 = arith.constant 2048 : index
    %get3A_224 = vector.load %arg3[%get3A_222, %get3A_223] : memref<1x8192xf32, #tpu.memory_space<vmem>>, vector<1x128xf32>
    %add3A_225 = vector.broadcast %broadcast_in_dim3A : vector<256x1xf32> to vector<256x128xf32>
    %add3A_226 = vector.broadcast %get3A_224 : vector<1x128xf32> to vector<256x128xf32>
    %add3A_227 = arith.addf %add3A_225, %add3A_226 : vector<256x128xf32>
    %slice3A_228 = vector.extract_strided_slice %dot_general3A_221 {offsets = [0, 0], sizes = [256, 128], strides = [1, 1]} : vector<256x2048xf32> to vector<256x128xf32>
    %add3A_229 = arith.addf %add3A_227, %slice3A_228 : vector<256x128xf32>
    %lt3A_230 = arith.cmpf olt, %add3A_229, %select_n3A_213 : vector<256x128xf32>
    %select_n3A_231 = arith.select %lt3A_230, %add3A_229, %select_n3A_213 : vector<256x128xi1>, vector<256x128xf32>
    %jit3A_232 = arith.constant 1.600000e+01 : f32
    %broadcast_in_dim3A_233 = vector.broadcast %jit3A_232 : f32 to vector<256x128xf32>
    %select_n3A_234 = arith.select %lt3A_230, %broadcast_in_dim3A_233, %select_n3A_216 : vector<256x128xi1>, vector<256x128xf32>
    %get3A_235 = arith.constant 0 : index
    %get3A_236 = arith.constant 2176 : index
    %get3A_237 = vector.load %arg3[%get3A_235, %get3A_236] : memref<1x8192xf32, #tpu.memory_space<vmem>>, vector<1x128xf32>
    %add3A_238 = vector.broadcast %broadcast_in_dim3A : vector<256x1xf32> to vector<256x128xf32>
    %add3A_239 = vector.broadcast %get3A_237 : vector<1x128xf32> to vector<256x128xf32>
    %add3A_240 = arith.addf %add3A_238, %add3A_239 : vector<256x128xf32>
    %slice3A_241 = vector.extract_strided_slice %dot_general3A_221 {offsets = [0, 128], sizes = [256, 128], strides = [1, 1]} : vector<256x2048xf32> to vector<256x128xf32>
    %add3A_242 = arith.addf %add3A_240, %slice3A_241 : vector<256x128xf32>
    %lt3A_243 = arith.cmpf olt, %add3A_242, %select_n3A_231 : vector<256x128xf32>
    %select_n3A_244 = arith.select %lt3A_243, %add3A_242, %select_n3A_231 : vector<256x128xi1>, vector<256x128xf32>
    %jit3A_245 = arith.constant 1.700000e+01 : f32
    %broadcast_in_dim3A_246 = vector.broadcast %jit3A_245 : f32 to vector<256x128xf32>
    %select_n3A_247 = arith.select %lt3A_243, %broadcast_in_dim3A_246, %select_n3A_234 : vector<256x128xi1>, vector<256x128xf32>
    %get3A_248 = arith.constant 0 : index
    %get3A_249 = arith.constant 2304 : index
    %get3A_250 = vector.load %arg3[%get3A_248, %get3A_249] : memref<1x8192xf32, #tpu.memory_space<vmem>>, vector<1x128xf32>
    %add3A_251 = vector.broadcast %broadcast_in_dim3A : vector<256x1xf32> to vector<256x128xf32>
    %add3A_252 = vector.broadcast %get3A_250 : vector<1x128xf32> to vector<256x128xf32>
    %add3A_253 = arith.addf %add3A_251, %add3A_252 : vector<256x128xf32>
    %slice3A_254 = vector.extract_strided_slice %dot_general3A_221 {offsets = [0, 256], sizes = [256, 128], strides = [1, 1]} : vector<256x2048xf32> to vector<256x128xf32>
    %add3A_255 = arith.addf %add3A_253, %slice3A_254 : vector<256x128xf32>
    %lt3A_256 = arith.cmpf olt, %add3A_255, %select_n3A_244 : vector<256x128xf32>
    %select_n3A_257 = arith.select %lt3A_256, %add3A_255, %select_n3A_244 : vector<256x128xi1>, vector<256x128xf32>
    %jit3A_258 = arith.constant 1.800000e+01 : f32
    %broadcast_in_dim3A_259 = vector.broadcast %jit3A_258 : f32 to vector<256x128xf32>
    %select_n3A_260 = arith.select %lt3A_256, %broadcast_in_dim3A_259, %select_n3A_247 : vector<256x128xi1>, vector<256x128xf32>
    %get3A_261 = arith.constant 0 : index
    %get3A_262 = arith.constant 2432 : index
    %get3A_263 = vector.load %arg3[%get3A_261, %get3A_262] : memref<1x8192xf32, #tpu.memory_space<vmem>>, vector<1x128xf32>
    %add3A_264 = vector.broadcast %broadcast_in_dim3A : vector<256x1xf32> to vector<256x128xf32>
    %add3A_265 = vector.broadcast %get3A_263 : vector<1x128xf32> to vector<256x128xf32>
    %add3A_266 = arith.addf %add3A_264, %add3A_265 : vector<256x128xf32>
    %slice3A_267 = vector.extract_strided_slice %dot_general3A_221 {offsets = [0, 384], sizes = [256, 128], strides = [1, 1]} : vector<256x2048xf32> to vector<256x128xf32>
    %add3A_268 = arith.addf %add3A_266, %slice3A_267 : vector<256x128xf32>
    %lt3A_269 = arith.cmpf olt, %add3A_268, %select_n3A_257 : vector<256x128xf32>
    %select_n3A_270 = arith.select %lt3A_269, %add3A_268, %select_n3A_257 : vector<256x128xi1>, vector<256x128xf32>
    %jit3A_271 = arith.constant 1.900000e+01 : f32
    %broadcast_in_dim3A_272 = vector.broadcast %jit3A_271 : f32 to vector<256x128xf32>
    %select_n3A_273 = arith.select %lt3A_269, %broadcast_in_dim3A_272, %select_n3A_260 : vector<256x128xi1>, vector<256x128xf32>
    %get3A_274 = arith.constant 0 : index
    %get3A_275 = arith.constant 2560 : index
    %get3A_276 = vector.load %arg3[%get3A_274, %get3A_275] : memref<1x8192xf32, #tpu.memory_space<vmem>>, vector<1x128xf32>
    %add3A_277 = vector.broadcast %broadcast_in_dim3A : vector<256x1xf32> to vector<256x128xf32>
    %add3A_278 = vector.broadcast %get3A_276 : vector<1x128xf32> to vector<256x128xf32>
    %add3A_279 = arith.addf %add3A_277, %add3A_278 : vector<256x128xf32>
    %slice3A_280 = vector.extract_strided_slice %dot_general3A_221 {offsets = [0, 512], sizes = [256, 128], strides = [1, 1]} : vector<256x2048xf32> to vector<256x128xf32>
    %add3A_281 = arith.addf %add3A_279, %slice3A_280 : vector<256x128xf32>
    %lt3A_282 = arith.cmpf olt, %add3A_281, %select_n3A_270 : vector<256x128xf32>
    %select_n3A_283 = arith.select %lt3A_282, %add3A_281, %select_n3A_270 : vector<256x128xi1>, vector<256x128xf32>
    %jit3A_284 = arith.constant 2.000000e+01 : f32
    %broadcast_in_dim3A_285 = vector.broadcast %jit3A_284 : f32 to vector<256x128xf32>
    %select_n3A_286 = arith.select %lt3A_282, %broadcast_in_dim3A_285, %select_n3A_273 : vector<256x128xi1>, vector<256x128xf32>
    %get3A_287 = arith.constant 0 : index
    %get3A_288 = arith.constant 2688 : index
    %get3A_289 = vector.load %arg3[%get3A_287, %get3A_288] : memref<1x8192xf32, #tpu.memory_space<vmem>>, vector<1x128xf32>
    %add3A_290 = vector.broadcast %broadcast_in_dim3A : vector<256x1xf32> to vector<256x128xf32>
    %add3A_291 = vector.broadcast %get3A_289 : vector<1x128xf32> to vector<256x128xf32>
    %add3A_292 = arith.addf %add3A_290, %add3A_291 : vector<256x128xf32>
    %slice3A_293 = vector.extract_strided_slice %dot_general3A_221 {offsets = [0, 640], sizes = [256, 128], strides = [1, 1]} : vector<256x2048xf32> to vector<256x128xf32>
    %add3A_294 = arith.addf %add3A_292, %slice3A_293 : vector<256x128xf32>
    %lt3A_295 = arith.cmpf olt, %add3A_294, %select_n3A_283 : vector<256x128xf32>
    %select_n3A_296 = arith.select %lt3A_295, %add3A_294, %select_n3A_283 : vector<256x128xi1>, vector<256x128xf32>
    %jit3A_297 = arith.constant 2.100000e+01 : f32
    %broadcast_in_dim3A_298 = vector.broadcast %jit3A_297 : f32 to vector<256x128xf32>
    %select_n3A_299 = arith.select %lt3A_295, %broadcast_in_dim3A_298, %select_n3A_286 : vector<256x128xi1>, vector<256x128xf32>
    %get3A_300 = arith.constant 0 : index
    %get3A_301 = arith.constant 2816 : index
    %get3A_302 = vector.load %arg3[%get3A_300, %get3A_301] : memref<1x8192xf32, #tpu.memory_space<vmem>>, vector<1x128xf32>
    %add3A_303 = vector.broadcast %broadcast_in_dim3A : vector<256x1xf32> to vector<256x128xf32>
    %add3A_304 = vector.broadcast %get3A_302 : vector<1x128xf32> to vector<256x128xf32>
    %add3A_305 = arith.addf %add3A_303, %add3A_304 : vector<256x128xf32>
    %slice3A_306 = vector.extract_strided_slice %dot_general3A_221 {offsets = [0, 768], sizes = [256, 128], strides = [1, 1]} : vector<256x2048xf32> to vector<256x128xf32>
    %add3A_307 = arith.addf %add3A_305, %slice3A_306 : vector<256x128xf32>
    %lt3A_308 = arith.cmpf olt, %add3A_307, %select_n3A_296 : vector<256x128xf32>
    %select_n3A_309 = arith.select %lt3A_308, %add3A_307, %select_n3A_296 : vector<256x128xi1>, vector<256x128xf32>
    %jit3A_310 = arith.constant 2.200000e+01 : f32
    %broadcast_in_dim3A_311 = vector.broadcast %jit3A_310 : f32 to vector<256x128xf32>
    %select_n3A_312 = arith.select %lt3A_308, %broadcast_in_dim3A_311, %select_n3A_299 : vector<256x128xi1>, vector<256x128xf32>
    %get3A_313 = arith.constant 0 : index
    %get3A_314 = arith.constant 2944 : index
    %get3A_315 = vector.load %arg3[%get3A_313, %get3A_314] : memref<1x8192xf32, #tpu.memory_space<vmem>>, vector<1x128xf32>
    %add3A_316 = vector.broadcast %broadcast_in_dim3A : vector<256x1xf32> to vector<256x128xf32>
    %add3A_317 = vector.broadcast %get3A_315 : vector<1x128xf32> to vector<256x128xf32>
    %add3A_318 = arith.addf %add3A_316, %add3A_317 : vector<256x128xf32>
    %slice3A_319 = vector.extract_strided_slice %dot_general3A_221 {offsets = [0, 896], sizes = [256, 128], strides = [1, 1]} : vector<256x2048xf32> to vector<256x128xf32>
    %add3A_320 = arith.addf %add3A_318, %slice3A_319 : vector<256x128xf32>
    %lt3A_321 = arith.cmpf olt, %add3A_320, %select_n3A_309 : vector<256x128xf32>
    %select_n3A_322 = arith.select %lt3A_321, %add3A_320, %select_n3A_309 : vector<256x128xi1>, vector<256x128xf32>
    %jit3A_323 = arith.constant 2.300000e+01 : f32
    %broadcast_in_dim3A_324 = vector.broadcast %jit3A_323 : f32 to vector<256x128xf32>
    %select_n3A_325 = arith.select %lt3A_321, %broadcast_in_dim3A_324, %select_n3A_312 : vector<256x128xi1>, vector<256x128xf32>
    %get3A_326 = arith.constant 0 : index
    %get3A_327 = arith.constant 3072 : index
    %get3A_328 = vector.load %arg3[%get3A_326, %get3A_327] : memref<1x8192xf32, #tpu.memory_space<vmem>>, vector<1x128xf32>
    %add3A_329 = vector.broadcast %broadcast_in_dim3A : vector<256x1xf32> to vector<256x128xf32>
    %add3A_330 = vector.broadcast %get3A_328 : vector<1x128xf32> to vector<256x128xf32>
    %add3A_331 = arith.addf %add3A_329, %add3A_330 : vector<256x128xf32>
    %slice3A_332 = vector.extract_strided_slice %dot_general3A_221 {offsets = [0, 1024], sizes = [256, 128], strides = [1, 1]} : vector<256x2048xf32> to vector<256x128xf32>
    %add3A_333 = arith.addf %add3A_331, %slice3A_332 : vector<256x128xf32>
    %lt3A_334 = arith.cmpf olt, %add3A_333, %select_n3A_322 : vector<256x128xf32>
    %select_n3A_335 = arith.select %lt3A_334, %add3A_333, %select_n3A_322 : vector<256x128xi1>, vector<256x128xf32>
    %jit3A_336 = arith.constant 2.400000e+01 : f32
    %broadcast_in_dim3A_337 = vector.broadcast %jit3A_336 : f32 to vector<256x128xf32>
    %select_n3A_338 = arith.select %lt3A_334, %broadcast_in_dim3A_337, %select_n3A_325 : vector<256x128xi1>, vector<256x128xf32>
    %get3A_339 = arith.constant 0 : index
    %get3A_340 = arith.constant 3200 : index
    %get3A_341 = vector.load %arg3[%get3A_339, %get3A_340] : memref<1x8192xf32, #tpu.memory_space<vmem>>, vector<1x128xf32>
    %add3A_342 = vector.broadcast %broadcast_in_dim3A : vector<256x1xf32> to vector<256x128xf32>
    %add3A_343 = vector.broadcast %get3A_341 : vector<1x128xf32> to vector<256x128xf32>
    %add3A_344 = arith.addf %add3A_342, %add3A_343 : vector<256x128xf32>
    %slice3A_345 = vector.extract_strided_slice %dot_general3A_221 {offsets = [0, 1152], sizes = [256, 128], strides = [1, 1]} : vector<256x2048xf32> to vector<256x128xf32>
    %add3A_346 = arith.addf %add3A_344, %slice3A_345 : vector<256x128xf32>
    %lt3A_347 = arith.cmpf olt, %add3A_346, %select_n3A_335 : vector<256x128xf32>
    %select_n3A_348 = arith.select %lt3A_347, %add3A_346, %select_n3A_335 : vector<256x128xi1>, vector<256x128xf32>
    %jit3A_349 = arith.constant 2.500000e+01 : f32
    %broadcast_in_dim3A_350 = vector.broadcast %jit3A_349 : f32 to vector<256x128xf32>
    %select_n3A_351 = arith.select %lt3A_347, %broadcast_in_dim3A_350, %select_n3A_338 : vector<256x128xi1>, vector<256x128xf32>
    %get3A_352 = arith.constant 0 : index
    %get3A_353 = arith.constant 3328 : index
    %get3A_354 = vector.load %arg3[%get3A_352, %get3A_353] : memref<1x8192xf32, #tpu.memory_space<vmem>>, vector<1x128xf32>
    %add3A_355 = vector.broadcast %broadcast_in_dim3A : vector<256x1xf32> to vector<256x128xf32>
    %add3A_356 = vector.broadcast %get3A_354 : vector<1x128xf32> to vector<256x128xf32>
    %add3A_357 = arith.addf %add3A_355, %add3A_356 : vector<256x128xf32>
    %slice3A_358 = vector.extract_strided_slice %dot_general3A_221 {offsets = [0, 1280], sizes = [256, 128], strides = [1, 1]} : vector<256x2048xf32> to vector<256x128xf32>
    %add3A_359 = arith.addf %add3A_357, %slice3A_358 : vector<256x128xf32>
    %lt3A_360 = arith.cmpf olt, %add3A_359, %select_n3A_348 : vector<256x128xf32>
    %select_n3A_361 = arith.select %lt3A_360, %add3A_359, %select_n3A_348 : vector<256x128xi1>, vector<256x128xf32>
    %jit3A_362 = arith.constant 2.600000e+01 : f32
    %broadcast_in_dim3A_363 = vector.broadcast %jit3A_362 : f32 to vector<256x128xf32>
    %select_n3A_364 = arith.select %lt3A_360, %broadcast_in_dim3A_363, %select_n3A_351 : vector<256x128xi1>, vector<256x128xf32>
    %get3A_365 = arith.constant 0 : index
    %get3A_366 = arith.constant 3456 : index
    %get3A_367 = vector.load %arg3[%get3A_365, %get3A_366] : memref<1x8192xf32, #tpu.memory_space<vmem>>, vector<1x128xf32>
    %add3A_368 = vector.broadcast %broadcast_in_dim3A : vector<256x1xf32> to vector<256x128xf32>
    %add3A_369 = vector.broadcast %get3A_367 : vector<1x128xf32> to vector<256x128xf32>
    %add3A_370 = arith.addf %add3A_368, %add3A_369 : vector<256x128xf32>
    %slice3A_371 = vector.extract_strided_slice %dot_general3A_221 {offsets = [0, 1408], sizes = [256, 128], strides = [1, 1]} : vector<256x2048xf32> to vector<256x128xf32>
    %add3A_372 = arith.addf %add3A_370, %slice3A_371 : vector<256x128xf32>
    %lt3A_373 = arith.cmpf olt, %add3A_372, %select_n3A_361 : vector<256x128xf32>
    %select_n3A_374 = arith.select %lt3A_373, %add3A_372, %select_n3A_361 : vector<256x128xi1>, vector<256x128xf32>
    %jit3A_375 = arith.constant 2.700000e+01 : f32
    %broadcast_in_dim3A_376 = vector.broadcast %jit3A_375 : f32 to vector<256x128xf32>
    %select_n3A_377 = arith.select %lt3A_373, %broadcast_in_dim3A_376, %select_n3A_364 : vector<256x128xi1>, vector<256x128xf32>
    %get3A_378 = arith.constant 0 : index
    %get3A_379 = arith.constant 3584 : index
    %get3A_380 = vector.load %arg3[%get3A_378, %get3A_379] : memref<1x8192xf32, #tpu.memory_space<vmem>>, vector<1x128xf32>
    %add3A_381 = vector.broadcast %broadcast_in_dim3A : vector<256x1xf32> to vector<256x128xf32>
    %add3A_382 = vector.broadcast %get3A_380 : vector<1x128xf32> to vector<256x128xf32>
    %add3A_383 = arith.addf %add3A_381, %add3A_382 : vector<256x128xf32>
    %slice3A_384 = vector.extract_strided_slice %dot_general3A_221 {offsets = [0, 1536], sizes = [256, 128], strides = [1, 1]} : vector<256x2048xf32> to vector<256x128xf32>
    %add3A_385 = arith.addf %add3A_383, %slice3A_384 : vector<256x128xf32>
    %lt3A_386 = arith.cmpf olt, %add3A_385, %select_n3A_374 : vector<256x128xf32>
    %select_n3A_387 = arith.select %lt3A_386, %add3A_385, %select_n3A_374 : vector<256x128xi1>, vector<256x128xf32>
    %jit3A_388 = arith.constant 2.800000e+01 : f32
    %broadcast_in_dim3A_389 = vector.broadcast %jit3A_388 : f32 to vector<256x128xf32>
    %select_n3A_390 = arith.select %lt3A_386, %broadcast_in_dim3A_389, %select_n3A_377 : vector<256x128xi1>, vector<256x128xf32>
    %get3A_391 = arith.constant 0 : index
    %get3A_392 = arith.constant 3712 : index
    %get3A_393 = vector.load %arg3[%get3A_391, %get3A_392] : memref<1x8192xf32, #tpu.memory_space<vmem>>, vector<1x128xf32>
    %add3A_394 = vector.broadcast %broadcast_in_dim3A : vector<256x1xf32> to vector<256x128xf32>
    %add3A_395 = vector.broadcast %get3A_393 : vector<1x128xf32> to vector<256x128xf32>
    %add3A_396 = arith.addf %add3A_394, %add3A_395 : vector<256x128xf32>
    %slice3A_397 = vector.extract_strided_slice %dot_general3A_221 {offsets = [0, 1664], sizes = [256, 128], strides = [1, 1]} : vector<256x2048xf32> to vector<256x128xf32>
    %add3A_398 = arith.addf %add3A_396, %slice3A_397 : vector<256x128xf32>
    %lt3A_399 = arith.cmpf olt, %add3A_398, %select_n3A_387 : vector<256x128xf32>
    %select_n3A_400 = arith.select %lt3A_399, %add3A_398, %select_n3A_387 : vector<256x128xi1>, vector<256x128xf32>
    %jit3A_401 = arith.constant 2.900000e+01 : f32
    %broadcast_in_dim3A_402 = vector.broadcast %jit3A_401 : f32 to vector<256x128xf32>
    %select_n3A_403 = arith.select %lt3A_399, %broadcast_in_dim3A_402, %select_n3A_390 : vector<256x128xi1>, vector<256x128xf32>
    %get3A_404 = arith.constant 0 : index
    %get3A_405 = arith.constant 3840 : index
    %get3A_406 = vector.load %arg3[%get3A_404, %get3A_405] : memref<1x8192xf32, #tpu.memory_space<vmem>>, vector<1x128xf32>
    %add3A_407 = vector.broadcast %broadcast_in_dim3A : vector<256x1xf32> to vector<256x128xf32>
    %add3A_408 = vector.broadcast %get3A_406 : vector<1x128xf32> to vector<256x128xf32>
    %add3A_409 = arith.addf %add3A_407, %add3A_408 : vector<256x128xf32>
    %slice3A_410 = vector.extract_strided_slice %dot_general3A_221 {offsets = [0, 1792], sizes = [256, 128], strides = [1, 1]} : vector<256x2048xf32> to vector<256x128xf32>
    %add3A_411 = arith.addf %add3A_409, %slice3A_410 : vector<256x128xf32>
    %lt3A_412 = arith.cmpf olt, %add3A_411, %select_n3A_400 : vector<256x128xf32>
    %select_n3A_413 = arith.select %lt3A_412, %add3A_411, %select_n3A_400 : vector<256x128xi1>, vector<256x128xf32>
    %jit3A_414 = arith.constant 3.000000e+01 : f32
    %broadcast_in_dim3A_415 = vector.broadcast %jit3A_414 : f32 to vector<256x128xf32>
    %select_n3A_416 = arith.select %lt3A_412, %broadcast_in_dim3A_415, %select_n3A_403 : vector<256x128xi1>, vector<256x128xf32>
    %get3A_417 = arith.constant 0 : index
    %get3A_418 = arith.constant 3968 : index
    %get3A_419 = vector.load %arg3[%get3A_417, %get3A_418] : memref<1x8192xf32, #tpu.memory_space<vmem>>, vector<1x128xf32>
    %add3A_420 = vector.broadcast %broadcast_in_dim3A : vector<256x1xf32> to vector<256x128xf32>
    %add3A_421 = vector.broadcast %get3A_419 : vector<1x128xf32> to vector<256x128xf32>
    %add3A_422 = arith.addf %add3A_420, %add3A_421 : vector<256x128xf32>
    %slice3A_423 = vector.extract_strided_slice %dot_general3A_221 {offsets = [0, 1920], sizes = [256, 128], strides = [1, 1]} : vector<256x2048xf32> to vector<256x128xf32>
    %add3A_424 = arith.addf %add3A_422, %slice3A_423 : vector<256x128xf32>
    %lt3A_425 = arith.cmpf olt, %add3A_424, %select_n3A_413 : vector<256x128xf32>
    %select_n3A_426 = arith.select %lt3A_425, %add3A_424, %select_n3A_413 : vector<256x128xi1>, vector<256x128xf32>
    %jit3A_427 = arith.constant 3.100000e+01 : f32
    %broadcast_in_dim3A_428 = vector.broadcast %jit3A_427 : f32 to vector<256x128xf32>
    %select_n3A_429 = arith.select %lt3A_425, %broadcast_in_dim3A_428, %select_n3A_416 : vector<256x128xi1>, vector<256x128xf32>
    %get3A_430 = arith.constant 4096 : index
    %get3A_431 = arith.constant 0 : index
    %get3A_432 = vector.load %arg2[%get3A_430, %get3A_431] : memref<8192x256xf32, #tpu.memory_space<vmem>>, vector<2048x256xf32>
    %dot_general3A_433 = arith.constant dense<0.000000e+00> : vector<256x2048xf32>
    %dot_general3A_434 = tpu.matmul %mul3A_3, %get3A_432, %dot_general3A_433 {dimension_numbers = #tpu.dot_dimension_numbers<[1], [1], [0], [0], [0, 0, 1, 0], [], []>, transpose_lhs_hint = false} : vector<256x256xf32>, vector<2048x256xf32>, vector<256x2048xf32> -> vector<256x2048xf32>
    %get3A_435 = arith.constant 0 : index
    %get3A_436 = arith.constant 4096 : index
    %get3A_437 = vector.load %arg3[%get3A_435, %get3A_436] : memref<1x8192xf32, #tpu.memory_space<vmem>>, vector<1x128xf32>
    %add3A_438 = vector.broadcast %broadcast_in_dim3A : vector<256x1xf32> to vector<256x128xf32>
    %add3A_439 = vector.broadcast %get3A_437 : vector<1x128xf32> to vector<256x128xf32>
    %add3A_440 = arith.addf %add3A_438, %add3A_439 : vector<256x128xf32>
    %slice3A_441 = vector.extract_strided_slice %dot_general3A_434 {offsets = [0, 0], sizes = [256, 128], strides = [1, 1]} : vector<256x2048xf32> to vector<256x128xf32>
    %add3A_442 = arith.addf %add3A_440, %slice3A_441 : vector<256x128xf32>
    %lt3A_443 = arith.cmpf olt, %add3A_442, %select_n3A_426 : vector<256x128xf32>
    %select_n3A_444 = arith.select %lt3A_443, %add3A_442, %select_n3A_426 : vector<256x128xi1>, vector<256x128xf32>
    %jit3A_445 = arith.constant 3.200000e+01 : f32
    %broadcast_in_dim3A_446 = vector.broadcast %jit3A_445 : f32 to vector<256x128xf32>
    %select_n3A_447 = arith.select %lt3A_443, %broadcast_in_dim3A_446, %select_n3A_429 : vector<256x128xi1>, vector<256x128xf32>
    %get3A_448 = arith.constant 0 : index
    %get3A_449 = arith.constant 4224 : index
    %get3A_450 = vector.load %arg3[%get3A_448, %get3A_449] : memref<1x8192xf32, #tpu.memory_space<vmem>>, vector<1x128xf32>
    %add3A_451 = vector.broadcast %broadcast_in_dim3A : vector<256x1xf32> to vector<256x128xf32>
    %add3A_452 = vector.broadcast %get3A_450 : vector<1x128xf32> to vector<256x128xf32>
    %add3A_453 = arith.addf %add3A_451, %add3A_452 : vector<256x128xf32>
    %slice3A_454 = vector.extract_strided_slice %dot_general3A_434 {offsets = [0, 128], sizes = [256, 128], strides = [1, 1]} : vector<256x2048xf32> to vector<256x128xf32>
    %add3A_455 = arith.addf %add3A_453, %slice3A_454 : vector<256x128xf32>
    %lt3A_456 = arith.cmpf olt, %add3A_455, %select_n3A_444 : vector<256x128xf32>
    %select_n3A_457 = arith.select %lt3A_456, %add3A_455, %select_n3A_444 : vector<256x128xi1>, vector<256x128xf32>
    %jit3A_458 = arith.constant 3.300000e+01 : f32
    %broadcast_in_dim3A_459 = vector.broadcast %jit3A_458 : f32 to vector<256x128xf32>
    %select_n3A_460 = arith.select %lt3A_456, %broadcast_in_dim3A_459, %select_n3A_447 : vector<256x128xi1>, vector<256x128xf32>
    %get3A_461 = arith.constant 0 : index
    %get3A_462 = arith.constant 4352 : index
    %get3A_463 = vector.load %arg3[%get3A_461, %get3A_462] : memref<1x8192xf32, #tpu.memory_space<vmem>>, vector<1x128xf32>
    %add3A_464 = vector.broadcast %broadcast_in_dim3A : vector<256x1xf32> to vector<256x128xf32>
    %add3A_465 = vector.broadcast %get3A_463 : vector<1x128xf32> to vector<256x128xf32>
    %add3A_466 = arith.addf %add3A_464, %add3A_465 : vector<256x128xf32>
    %slice3A_467 = vector.extract_strided_slice %dot_general3A_434 {offsets = [0, 256], sizes = [256, 128], strides = [1, 1]} : vector<256x2048xf32> to vector<256x128xf32>
    %add3A_468 = arith.addf %add3A_466, %slice3A_467 : vector<256x128xf32>
    %lt3A_469 = arith.cmpf olt, %add3A_468, %select_n3A_457 : vector<256x128xf32>
    %select_n3A_470 = arith.select %lt3A_469, %add3A_468, %select_n3A_457 : vector<256x128xi1>, vector<256x128xf32>
    %jit3A_471 = arith.constant 3.400000e+01 : f32
    %broadcast_in_dim3A_472 = vector.broadcast %jit3A_471 : f32 to vector<256x128xf32>
    %select_n3A_473 = arith.select %lt3A_469, %broadcast_in_dim3A_472, %select_n3A_460 : vector<256x128xi1>, vector<256x128xf32>
    %get3A_474 = arith.constant 0 : index
    %get3A_475 = arith.constant 4480 : index
    %get3A_476 = vector.load %arg3[%get3A_474, %get3A_475] : memref<1x8192xf32, #tpu.memory_space<vmem>>, vector<1x128xf32>
    %add3A_477 = vector.broadcast %broadcast_in_dim3A : vector<256x1xf32> to vector<256x128xf32>
    %add3A_478 = vector.broadcast %get3A_476 : vector<1x128xf32> to vector<256x128xf32>
    %add3A_479 = arith.addf %add3A_477, %add3A_478 : vector<256x128xf32>
    %slice3A_480 = vector.extract_strided_slice %dot_general3A_434 {offsets = [0, 384], sizes = [256, 128], strides = [1, 1]} : vector<256x2048xf32> to vector<256x128xf32>
    %add3A_481 = arith.addf %add3A_479, %slice3A_480 : vector<256x128xf32>
    %lt3A_482 = arith.cmpf olt, %add3A_481, %select_n3A_470 : vector<256x128xf32>
    %select_n3A_483 = arith.select %lt3A_482, %add3A_481, %select_n3A_470 : vector<256x128xi1>, vector<256x128xf32>
    %jit3A_484 = arith.constant 3.500000e+01 : f32
    %broadcast_in_dim3A_485 = vector.broadcast %jit3A_484 : f32 to vector<256x128xf32>
    %select_n3A_486 = arith.select %lt3A_482, %broadcast_in_dim3A_485, %select_n3A_473 : vector<256x128xi1>, vector<256x128xf32>
    %get3A_487 = arith.constant 0 : index
    %get3A_488 = arith.constant 4608 : index
    %get3A_489 = vector.load %arg3[%get3A_487, %get3A_488] : memref<1x8192xf32, #tpu.memory_space<vmem>>, vector<1x128xf32>
    %add3A_490 = vector.broadcast %broadcast_in_dim3A : vector<256x1xf32> to vector<256x128xf32>
    %add3A_491 = vector.broadcast %get3A_489 : vector<1x128xf32> to vector<256x128xf32>
    %add3A_492 = arith.addf %add3A_490, %add3A_491 : vector<256x128xf32>
    %slice3A_493 = vector.extract_strided_slice %dot_general3A_434 {offsets = [0, 512], sizes = [256, 128], strides = [1, 1]} : vector<256x2048xf32> to vector<256x128xf32>
    %add3A_494 = arith.addf %add3A_492, %slice3A_493 : vector<256x128xf32>
    %lt3A_495 = arith.cmpf olt, %add3A_494, %select_n3A_483 : vector<256x128xf32>
    %select_n3A_496 = arith.select %lt3A_495, %add3A_494, %select_n3A_483 : vector<256x128xi1>, vector<256x128xf32>
    %jit3A_497 = arith.constant 3.600000e+01 : f32
    %broadcast_in_dim3A_498 = vector.broadcast %jit3A_497 : f32 to vector<256x128xf32>
    %select_n3A_499 = arith.select %lt3A_495, %broadcast_in_dim3A_498, %select_n3A_486 : vector<256x128xi1>, vector<256x128xf32>
    %get3A_500 = arith.constant 0 : index
    %get3A_501 = arith.constant 4736 : index
    %get3A_502 = vector.load %arg3[%get3A_500, %get3A_501] : memref<1x8192xf32, #tpu.memory_space<vmem>>, vector<1x128xf32>
    %add3A_503 = vector.broadcast %broadcast_in_dim3A : vector<256x1xf32> to vector<256x128xf32>
    %add3A_504 = vector.broadcast %get3A_502 : vector<1x128xf32> to vector<256x128xf32>
    %add3A_505 = arith.addf %add3A_503, %add3A_504 : vector<256x128xf32>
    %slice3A_506 = vector.extract_strided_slice %dot_general3A_434 {offsets = [0, 640], sizes = [256, 128], strides = [1, 1]} : vector<256x2048xf32> to vector<256x128xf32>
    %add3A_507 = arith.addf %add3A_505, %slice3A_506 : vector<256x128xf32>
    %lt3A_508 = arith.cmpf olt, %add3A_507, %select_n3A_496 : vector<256x128xf32>
    %select_n3A_509 = arith.select %lt3A_508, %add3A_507, %select_n3A_496 : vector<256x128xi1>, vector<256x128xf32>
    %jit3A_510 = arith.constant 3.700000e+01 : f32
    %broadcast_in_dim3A_511 = vector.broadcast %jit3A_510 : f32 to vector<256x128xf32>
    %select_n3A_512 = arith.select %lt3A_508, %broadcast_in_dim3A_511, %select_n3A_499 : vector<256x128xi1>, vector<256x128xf32>
    %get3A_513 = arith.constant 0 : index
    %get3A_514 = arith.constant 4864 : index
    %get3A_515 = vector.load %arg3[%get3A_513, %get3A_514] : memref<1x8192xf32, #tpu.memory_space<vmem>>, vector<1x128xf32>
    %add3A_516 = vector.broadcast %broadcast_in_dim3A : vector<256x1xf32> to vector<256x128xf32>
    %add3A_517 = vector.broadcast %get3A_515 : vector<1x128xf32> to vector<256x128xf32>
    %add3A_518 = arith.addf %add3A_516, %add3A_517 : vector<256x128xf32>
    %slice3A_519 = vector.extract_strided_slice %dot_general3A_434 {offsets = [0, 768], sizes = [256, 128], strides = [1, 1]} : vector<256x2048xf32> to vector<256x128xf32>
    %add3A_520 = arith.addf %add3A_518, %slice3A_519 : vector<256x128xf32>
    %lt3A_521 = arith.cmpf olt, %add3A_520, %select_n3A_509 : vector<256x128xf32>
    %select_n3A_522 = arith.select %lt3A_521, %add3A_520, %select_n3A_509 : vector<256x128xi1>, vector<256x128xf32>
    %jit3A_523 = arith.constant 3.800000e+01 : f32
    %broadcast_in_dim3A_524 = vector.broadcast %jit3A_523 : f32 to vector<256x128xf32>
    %select_n3A_525 = arith.select %lt3A_521, %broadcast_in_dim3A_524, %select_n3A_512 : vector<256x128xi1>, vector<256x128xf32>
    %get3A_526 = arith.constant 0 : index
    %get3A_527 = arith.constant 4992 : index
    %get3A_528 = vector.load %arg3[%get3A_526, %get3A_527] : memref<1x8192xf32, #tpu.memory_space<vmem>>, vector<1x128xf32>
    %add3A_529 = vector.broadcast %broadcast_in_dim3A : vector<256x1xf32> to vector<256x128xf32>
    %add3A_530 = vector.broadcast %get3A_528 : vector<1x128xf32> to vector<256x128xf32>
    %add3A_531 = arith.addf %add3A_529, %add3A_530 : vector<256x128xf32>
    %slice3A_532 = vector.extract_strided_slice %dot_general3A_434 {offsets = [0, 896], sizes = [256, 128], strides = [1, 1]} : vector<256x2048xf32> to vector<256x128xf32>
    %add3A_533 = arith.addf %add3A_531, %slice3A_532 : vector<256x128xf32>
    %lt3A_534 = arith.cmpf olt, %add3A_533, %select_n3A_522 : vector<256x128xf32>
    %select_n3A_535 = arith.select %lt3A_534, %add3A_533, %select_n3A_522 : vector<256x128xi1>, vector<256x128xf32>
    %jit3A_536 = arith.constant 3.900000e+01 : f32
    %broadcast_in_dim3A_537 = vector.broadcast %jit3A_536 : f32 to vector<256x128xf32>
    %select_n3A_538 = arith.select %lt3A_534, %broadcast_in_dim3A_537, %select_n3A_525 : vector<256x128xi1>, vector<256x128xf32>
    %get3A_539 = arith.constant 0 : index
    %get3A_540 = arith.constant 5120 : index
    %get3A_541 = vector.load %arg3[%get3A_539, %get3A_540] : memref<1x8192xf32, #tpu.memory_space<vmem>>, vector<1x128xf32>
    %add3A_542 = vector.broadcast %broadcast_in_dim3A : vector<256x1xf32> to vector<256x128xf32>
    %add3A_543 = vector.broadcast %get3A_541 : vector<1x128xf32> to vector<256x128xf32>
    %add3A_544 = arith.addf %add3A_542, %add3A_543 : vector<256x128xf32>
    %slice3A_545 = vector.extract_strided_slice %dot_general3A_434 {offsets = [0, 1024], sizes = [256, 128], strides = [1, 1]} : vector<256x2048xf32> to vector<256x128xf32>
    %add3A_546 = arith.addf %add3A_544, %slice3A_545 : vector<256x128xf32>
    %lt3A_547 = arith.cmpf olt, %add3A_546, %select_n3A_535 : vector<256x128xf32>
    %select_n3A_548 = arith.select %lt3A_547, %add3A_546, %select_n3A_535 : vector<256x128xi1>, vector<256x128xf32>
    %jit3A_549 = arith.constant 4.000000e+01 : f32
    %broadcast_in_dim3A_550 = vector.broadcast %jit3A_549 : f32 to vector<256x128xf32>
    %select_n3A_551 = arith.select %lt3A_547, %broadcast_in_dim3A_550, %select_n3A_538 : vector<256x128xi1>, vector<256x128xf32>
    %get3A_552 = arith.constant 0 : index
    %get3A_553 = arith.constant 5248 : index
    %get3A_554 = vector.load %arg3[%get3A_552, %get3A_553] : memref<1x8192xf32, #tpu.memory_space<vmem>>, vector<1x128xf32>
    %add3A_555 = vector.broadcast %broadcast_in_dim3A : vector<256x1xf32> to vector<256x128xf32>
    %add3A_556 = vector.broadcast %get3A_554 : vector<1x128xf32> to vector<256x128xf32>
    %add3A_557 = arith.addf %add3A_555, %add3A_556 : vector<256x128xf32>
    %slice3A_558 = vector.extract_strided_slice %dot_general3A_434 {offsets = [0, 1152], sizes = [256, 128], strides = [1, 1]} : vector<256x2048xf32> to vector<256x128xf32>
    %add3A_559 = arith.addf %add3A_557, %slice3A_558 : vector<256x128xf32>
    %lt3A_560 = arith.cmpf olt, %add3A_559, %select_n3A_548 : vector<256x128xf32>
    %select_n3A_561 = arith.select %lt3A_560, %add3A_559, %select_n3A_548 : vector<256x128xi1>, vector<256x128xf32>
    %jit3A_562 = arith.constant 4.100000e+01 : f32
    %broadcast_in_dim3A_563 = vector.broadcast %jit3A_562 : f32 to vector<256x128xf32>
    %select_n3A_564 = arith.select %lt3A_560, %broadcast_in_dim3A_563, %select_n3A_551 : vector<256x128xi1>, vector<256x128xf32>
    %get3A_565 = arith.constant 0 : index
    %get3A_566 = arith.constant 5376 : index
    %get3A_567 = vector.load %arg3[%get3A_565, %get3A_566] : memref<1x8192xf32, #tpu.memory_space<vmem>>, vector<1x128xf32>
    %add3A_568 = vector.broadcast %broadcast_in_dim3A : vector<256x1xf32> to vector<256x128xf32>
    %add3A_569 = vector.broadcast %get3A_567 : vector<1x128xf32> to vector<256x128xf32>
    %add3A_570 = arith.addf %add3A_568, %add3A_569 : vector<256x128xf32>
    %slice3A_571 = vector.extract_strided_slice %dot_general3A_434 {offsets = [0, 1280], sizes = [256, 128], strides = [1, 1]} : vector<256x2048xf32> to vector<256x128xf32>
    %add3A_572 = arith.addf %add3A_570, %slice3A_571 : vector<256x128xf32>
    %lt3A_573 = arith.cmpf olt, %add3A_572, %select_n3A_561 : vector<256x128xf32>
    %select_n3A_574 = arith.select %lt3A_573, %add3A_572, %select_n3A_561 : vector<256x128xi1>, vector<256x128xf32>
    %jit3A_575 = arith.constant 4.200000e+01 : f32
    %broadcast_in_dim3A_576 = vector.broadcast %jit3A_575 : f32 to vector<256x128xf32>
    %select_n3A_577 = arith.select %lt3A_573, %broadcast_in_dim3A_576, %select_n3A_564 : vector<256x128xi1>, vector<256x128xf32>
    %get3A_578 = arith.constant 0 : index
    %get3A_579 = arith.constant 5504 : index
    %get3A_580 = vector.load %arg3[%get3A_578, %get3A_579] : memref<1x8192xf32, #tpu.memory_space<vmem>>, vector<1x128xf32>
    %add3A_581 = vector.broadcast %broadcast_in_dim3A : vector<256x1xf32> to vector<256x128xf32>
    %add3A_582 = vector.broadcast %get3A_580 : vector<1x128xf32> to vector<256x128xf32>
    %add3A_583 = arith.addf %add3A_581, %add3A_582 : vector<256x128xf32>
    %slice3A_584 = vector.extract_strided_slice %dot_general3A_434 {offsets = [0, 1408], sizes = [256, 128], strides = [1, 1]} : vector<256x2048xf32> to vector<256x128xf32>
    %add3A_585 = arith.addf %add3A_583, %slice3A_584 : vector<256x128xf32>
    %lt3A_586 = arith.cmpf olt, %add3A_585, %select_n3A_574 : vector<256x128xf32>
    %select_n3A_587 = arith.select %lt3A_586, %add3A_585, %select_n3A_574 : vector<256x128xi1>, vector<256x128xf32>
    %jit3A_588 = arith.constant 4.300000e+01 : f32
    %broadcast_in_dim3A_589 = vector.broadcast %jit3A_588 : f32 to vector<256x128xf32>
    %select_n3A_590 = arith.select %lt3A_586, %broadcast_in_dim3A_589, %select_n3A_577 : vector<256x128xi1>, vector<256x128xf32>
    %get3A_591 = arith.constant 0 : index
    %get3A_592 = arith.constant 5632 : index
    %get3A_593 = vector.load %arg3[%get3A_591, %get3A_592] : memref<1x8192xf32, #tpu.memory_space<vmem>>, vector<1x128xf32>
    %add3A_594 = vector.broadcast %broadcast_in_dim3A : vector<256x1xf32> to vector<256x128xf32>
    %add3A_595 = vector.broadcast %get3A_593 : vector<1x128xf32> to vector<256x128xf32>
    %add3A_596 = arith.addf %add3A_594, %add3A_595 : vector<256x128xf32>
    %slice3A_597 = vector.extract_strided_slice %dot_general3A_434 {offsets = [0, 1536], sizes = [256, 128], strides = [1, 1]} : vector<256x2048xf32> to vector<256x128xf32>
    %add3A_598 = arith.addf %add3A_596, %slice3A_597 : vector<256x128xf32>
    %lt3A_599 = arith.cmpf olt, %add3A_598, %select_n3A_587 : vector<256x128xf32>
    %select_n3A_600 = arith.select %lt3A_599, %add3A_598, %select_n3A_587 : vector<256x128xi1>, vector<256x128xf32>
    %jit3A_601 = arith.constant 4.400000e+01 : f32
    %broadcast_in_dim3A_602 = vector.broadcast %jit3A_601 : f32 to vector<256x128xf32>
    %select_n3A_603 = arith.select %lt3A_599, %broadcast_in_dim3A_602, %select_n3A_590 : vector<256x128xi1>, vector<256x128xf32>
    %get3A_604 = arith.constant 0 : index
    %get3A_605 = arith.constant 5760 : index
    %get3A_606 = vector.load %arg3[%get3A_604, %get3A_605] : memref<1x8192xf32, #tpu.memory_space<vmem>>, vector<1x128xf32>
    %add3A_607 = vector.broadcast %broadcast_in_dim3A : vector<256x1xf32> to vector<256x128xf32>
    %add3A_608 = vector.broadcast %get3A_606 : vector<1x128xf32> to vector<256x128xf32>
    %add3A_609 = arith.addf %add3A_607, %add3A_608 : vector<256x128xf32>
    %slice3A_610 = vector.extract_strided_slice %dot_general3A_434 {offsets = [0, 1664], sizes = [256, 128], strides = [1, 1]} : vector<256x2048xf32> to vector<256x128xf32>
    %add3A_611 = arith.addf %add3A_609, %slice3A_610 : vector<256x128xf32>
    %lt3A_612 = arith.cmpf olt, %add3A_611, %select_n3A_600 : vector<256x128xf32>
    %select_n3A_613 = arith.select %lt3A_612, %add3A_611, %select_n3A_600 : vector<256x128xi1>, vector<256x128xf32>
    %jit3A_614 = arith.constant 4.500000e+01 : f32
    %broadcast_in_dim3A_615 = vector.broadcast %jit3A_614 : f32 to vector<256x128xf32>
    %select_n3A_616 = arith.select %lt3A_612, %broadcast_in_dim3A_615, %select_n3A_603 : vector<256x128xi1>, vector<256x128xf32>
    %get3A_617 = arith.constant 0 : index
    %get3A_618 = arith.constant 5888 : index
    %get3A_619 = vector.load %arg3[%get3A_617, %get3A_618] : memref<1x8192xf32, #tpu.memory_space<vmem>>, vector<1x128xf32>
    %add3A_620 = vector.broadcast %broadcast_in_dim3A : vector<256x1xf32> to vector<256x128xf32>
    %add3A_621 = vector.broadcast %get3A_619 : vector<1x128xf32> to vector<256x128xf32>
    %add3A_622 = arith.addf %add3A_620, %add3A_621 : vector<256x128xf32>
    %slice3A_623 = vector.extract_strided_slice %dot_general3A_434 {offsets = [0, 1792], sizes = [256, 128], strides = [1, 1]} : vector<256x2048xf32> to vector<256x128xf32>
    %add3A_624 = arith.addf %add3A_622, %slice3A_623 : vector<256x128xf32>
    %lt3A_625 = arith.cmpf olt, %add3A_624, %select_n3A_613 : vector<256x128xf32>
    %select_n3A_626 = arith.select %lt3A_625, %add3A_624, %select_n3A_613 : vector<256x128xi1>, vector<256x128xf32>
    %jit3A_627 = arith.constant 4.600000e+01 : f32
    %broadcast_in_dim3A_628 = vector.broadcast %jit3A_627 : f32 to vector<256x128xf32>
    %select_n3A_629 = arith.select %lt3A_625, %broadcast_in_dim3A_628, %select_n3A_616 : vector<256x128xi1>, vector<256x128xf32>
    %get3A_630 = arith.constant 0 : index
    %get3A_631 = arith.constant 6016 : index
    %get3A_632 = vector.load %arg3[%get3A_630, %get3A_631] : memref<1x8192xf32, #tpu.memory_space<vmem>>, vector<1x128xf32>
    %add3A_633 = vector.broadcast %broadcast_in_dim3A : vector<256x1xf32> to vector<256x128xf32>
    %add3A_634 = vector.broadcast %get3A_632 : vector<1x128xf32> to vector<256x128xf32>
    %add3A_635 = arith.addf %add3A_633, %add3A_634 : vector<256x128xf32>
    %slice3A_636 = vector.extract_strided_slice %dot_general3A_434 {offsets = [0, 1920], sizes = [256, 128], strides = [1, 1]} : vector<256x2048xf32> to vector<256x128xf32>
    %add3A_637 = arith.addf %add3A_635, %slice3A_636 : vector<256x128xf32>
    %lt3A_638 = arith.cmpf olt, %add3A_637, %select_n3A_626 : vector<256x128xf32>
    %select_n3A_639 = arith.select %lt3A_638, %add3A_637, %select_n3A_626 : vector<256x128xi1>, vector<256x128xf32>
    %jit3A_640 = arith.constant 4.700000e+01 : f32
    %broadcast_in_dim3A_641 = vector.broadcast %jit3A_640 : f32 to vector<256x128xf32>
    %select_n3A_642 = arith.select %lt3A_638, %broadcast_in_dim3A_641, %select_n3A_629 : vector<256x128xi1>, vector<256x128xf32>
    %get3A_643 = arith.constant 6144 : index
    %get3A_644 = arith.constant 0 : index
    %get3A_645 = vector.load %arg2[%get3A_643, %get3A_644] : memref<8192x256xf32, #tpu.memory_space<vmem>>, vector<2048x256xf32>
    %dot_general3A_646 = arith.constant dense<0.000000e+00> : vector<256x2048xf32>
    %dot_general3A_647 = tpu.matmul %mul3A_3, %get3A_645, %dot_general3A_646 {dimension_numbers = #tpu.dot_dimension_numbers<[1], [1], [0], [0], [0, 0, 1, 0], [], []>, transpose_lhs_hint = false} : vector<256x256xf32>, vector<2048x256xf32>, vector<256x2048xf32> -> vector<256x2048xf32>
    %get3A_648 = arith.constant 0 : index
    %get3A_649 = arith.constant 6144 : index
    %get3A_650 = vector.load %arg3[%get3A_648, %get3A_649] : memref<1x8192xf32, #tpu.memory_space<vmem>>, vector<1x128xf32>
    %add3A_651 = vector.broadcast %broadcast_in_dim3A : vector<256x1xf32> to vector<256x128xf32>
    %add3A_652 = vector.broadcast %get3A_650 : vector<1x128xf32> to vector<256x128xf32>
    %add3A_653 = arith.addf %add3A_651, %add3A_652 : vector<256x128xf32>
    %slice3A_654 = vector.extract_strided_slice %dot_general3A_647 {offsets = [0, 0], sizes = [256, 128], strides = [1, 1]} : vector<256x2048xf32> to vector<256x128xf32>
    %add3A_655 = arith.addf %add3A_653, %slice3A_654 : vector<256x128xf32>
    %lt3A_656 = arith.cmpf olt, %add3A_655, %select_n3A_639 : vector<256x128xf32>
    %select_n3A_657 = arith.select %lt3A_656, %add3A_655, %select_n3A_639 : vector<256x128xi1>, vector<256x128xf32>
    %jit3A_658 = arith.constant 4.800000e+01 : f32
    %broadcast_in_dim3A_659 = vector.broadcast %jit3A_658 : f32 to vector<256x128xf32>
    %select_n3A_660 = arith.select %lt3A_656, %broadcast_in_dim3A_659, %select_n3A_642 : vector<256x128xi1>, vector<256x128xf32>
    %get3A_661 = arith.constant 0 : index
    %get3A_662 = arith.constant 6272 : index
    %get3A_663 = vector.load %arg3[%get3A_661, %get3A_662] : memref<1x8192xf32, #tpu.memory_space<vmem>>, vector<1x128xf32>
    %add3A_664 = vector.broadcast %broadcast_in_dim3A : vector<256x1xf32> to vector<256x128xf32>
    %add3A_665 = vector.broadcast %get3A_663 : vector<1x128xf32> to vector<256x128xf32>
    %add3A_666 = arith.addf %add3A_664, %add3A_665 : vector<256x128xf32>
    %slice3A_667 = vector.extract_strided_slice %dot_general3A_647 {offsets = [0, 128], sizes = [256, 128], strides = [1, 1]} : vector<256x2048xf32> to vector<256x128xf32>
    %add3A_668 = arith.addf %add3A_666, %slice3A_667 : vector<256x128xf32>
    %lt3A_669 = arith.cmpf olt, %add3A_668, %select_n3A_657 : vector<256x128xf32>
    %select_n3A_670 = arith.select %lt3A_669, %add3A_668, %select_n3A_657 : vector<256x128xi1>, vector<256x128xf32>
    %jit3A_671 = arith.constant 4.900000e+01 : f32
    %broadcast_in_dim3A_672 = vector.broadcast %jit3A_671 : f32 to vector<256x128xf32>
    %select_n3A_673 = arith.select %lt3A_669, %broadcast_in_dim3A_672, %select_n3A_660 : vector<256x128xi1>, vector<256x128xf32>
    %get3A_674 = arith.constant 0 : index
    %get3A_675 = arith.constant 6400 : index
    %get3A_676 = vector.load %arg3[%get3A_674, %get3A_675] : memref<1x8192xf32, #tpu.memory_space<vmem>>, vector<1x128xf32>
    %add3A_677 = vector.broadcast %broadcast_in_dim3A : vector<256x1xf32> to vector<256x128xf32>
    %add3A_678 = vector.broadcast %get3A_676 : vector<1x128xf32> to vector<256x128xf32>
    %add3A_679 = arith.addf %add3A_677, %add3A_678 : vector<256x128xf32>
    %slice3A_680 = vector.extract_strided_slice %dot_general3A_647 {offsets = [0, 256], sizes = [256, 128], strides = [1, 1]} : vector<256x2048xf32> to vector<256x128xf32>
    %add3A_681 = arith.addf %add3A_679, %slice3A_680 : vector<256x128xf32>
    %lt3A_682 = arith.cmpf olt, %add3A_681, %select_n3A_670 : vector<256x128xf32>
    %select_n3A_683 = arith.select %lt3A_682, %add3A_681, %select_n3A_670 : vector<256x128xi1>, vector<256x128xf32>
    %jit3A_684 = arith.constant 5.000000e+01 : f32
    %broadcast_in_dim3A_685 = vector.broadcast %jit3A_684 : f32 to vector<256x128xf32>
    %select_n3A_686 = arith.select %lt3A_682, %broadcast_in_dim3A_685, %select_n3A_673 : vector<256x128xi1>, vector<256x128xf32>
    %get3A_687 = arith.constant 0 : index
    %get3A_688 = arith.constant 6528 : index
    %get3A_689 = vector.load %arg3[%get3A_687, %get3A_688] : memref<1x8192xf32, #tpu.memory_space<vmem>>, vector<1x128xf32>
    %add3A_690 = vector.broadcast %broadcast_in_dim3A : vector<256x1xf32> to vector<256x128xf32>
    %add3A_691 = vector.broadcast %get3A_689 : vector<1x128xf32> to vector<256x128xf32>
    %add3A_692 = arith.addf %add3A_690, %add3A_691 : vector<256x128xf32>
    %slice3A_693 = vector.extract_strided_slice %dot_general3A_647 {offsets = [0, 384], sizes = [256, 128], strides = [1, 1]} : vector<256x2048xf32> to vector<256x128xf32>
    %add3A_694 = arith.addf %add3A_692, %slice3A_693 : vector<256x128xf32>
    %lt3A_695 = arith.cmpf olt, %add3A_694, %select_n3A_683 : vector<256x128xf32>
    %select_n3A_696 = arith.select %lt3A_695, %add3A_694, %select_n3A_683 : vector<256x128xi1>, vector<256x128xf32>
    %jit3A_697 = arith.constant 5.100000e+01 : f32
    %broadcast_in_dim3A_698 = vector.broadcast %jit3A_697 : f32 to vector<256x128xf32>
    %select_n3A_699 = arith.select %lt3A_695, %broadcast_in_dim3A_698, %select_n3A_686 : vector<256x128xi1>, vector<256x128xf32>
    %get3A_700 = arith.constant 0 : index
    %get3A_701 = arith.constant 6656 : index
    %get3A_702 = vector.load %arg3[%get3A_700, %get3A_701] : memref<1x8192xf32, #tpu.memory_space<vmem>>, vector<1x128xf32>
    %add3A_703 = vector.broadcast %broadcast_in_dim3A : vector<256x1xf32> to vector<256x128xf32>
    %add3A_704 = vector.broadcast %get3A_702 : vector<1x128xf32> to vector<256x128xf32>
    %add3A_705 = arith.addf %add3A_703, %add3A_704 : vector<256x128xf32>
    %slice3A_706 = vector.extract_strided_slice %dot_general3A_647 {offsets = [0, 512], sizes = [256, 128], strides = [1, 1]} : vector<256x2048xf32> to vector<256x128xf32>
    %add3A_707 = arith.addf %add3A_705, %slice3A_706 : vector<256x128xf32>
    %lt3A_708 = arith.cmpf olt, %add3A_707, %select_n3A_696 : vector<256x128xf32>
    %select_n3A_709 = arith.select %lt3A_708, %add3A_707, %select_n3A_696 : vector<256x128xi1>, vector<256x128xf32>
    %jit3A_710 = arith.constant 5.200000e+01 : f32
    %broadcast_in_dim3A_711 = vector.broadcast %jit3A_710 : f32 to vector<256x128xf32>
    %select_n3A_712 = arith.select %lt3A_708, %broadcast_in_dim3A_711, %select_n3A_699 : vector<256x128xi1>, vector<256x128xf32>
    %get3A_713 = arith.constant 0 : index
    %get3A_714 = arith.constant 6784 : index
    %get3A_715 = vector.load %arg3[%get3A_713, %get3A_714] : memref<1x8192xf32, #tpu.memory_space<vmem>>, vector<1x128xf32>
    %add3A_716 = vector.broadcast %broadcast_in_dim3A : vector<256x1xf32> to vector<256x128xf32>
    %add3A_717 = vector.broadcast %get3A_715 : vector<1x128xf32> to vector<256x128xf32>
    %add3A_718 = arith.addf %add3A_716, %add3A_717 : vector<256x128xf32>
    %slice3A_719 = vector.extract_strided_slice %dot_general3A_647 {offsets = [0, 640], sizes = [256, 128], strides = [1, 1]} : vector<256x2048xf32> to vector<256x128xf32>
    %add3A_720 = arith.addf %add3A_718, %slice3A_719 : vector<256x128xf32>
    %lt3A_721 = arith.cmpf olt, %add3A_720, %select_n3A_709 : vector<256x128xf32>
    %select_n3A_722 = arith.select %lt3A_721, %add3A_720, %select_n3A_709 : vector<256x128xi1>, vector<256x128xf32>
    %jit3A_723 = arith.constant 5.300000e+01 : f32
    %broadcast_in_dim3A_724 = vector.broadcast %jit3A_723 : f32 to vector<256x128xf32>
    %select_n3A_725 = arith.select %lt3A_721, %broadcast_in_dim3A_724, %select_n3A_712 : vector<256x128xi1>, vector<256x128xf32>
    %get3A_726 = arith.constant 0 : index
    %get3A_727 = arith.constant 6912 : index
    %get3A_728 = vector.load %arg3[%get3A_726, %get3A_727] : memref<1x8192xf32, #tpu.memory_space<vmem>>, vector<1x128xf32>
    %add3A_729 = vector.broadcast %broadcast_in_dim3A : vector<256x1xf32> to vector<256x128xf32>
    %add3A_730 = vector.broadcast %get3A_728 : vector<1x128xf32> to vector<256x128xf32>
    %add3A_731 = arith.addf %add3A_729, %add3A_730 : vector<256x128xf32>
    %slice3A_732 = vector.extract_strided_slice %dot_general3A_647 {offsets = [0, 768], sizes = [256, 128], strides = [1, 1]} : vector<256x2048xf32> to vector<256x128xf32>
    %add3A_733 = arith.addf %add3A_731, %slice3A_732 : vector<256x128xf32>
    %lt3A_734 = arith.cmpf olt, %add3A_733, %select_n3A_722 : vector<256x128xf32>
    %select_n3A_735 = arith.select %lt3A_734, %add3A_733, %select_n3A_722 : vector<256x128xi1>, vector<256x128xf32>
    %jit3A_736 = arith.constant 5.400000e+01 : f32
    %broadcast_in_dim3A_737 = vector.broadcast %jit3A_736 : f32 to vector<256x128xf32>
    %select_n3A_738 = arith.select %lt3A_734, %broadcast_in_dim3A_737, %select_n3A_725 : vector<256x128xi1>, vector<256x128xf32>
    %get3A_739 = arith.constant 0 : index
    %get3A_740 = arith.constant 7040 : index
    %get3A_741 = vector.load %arg3[%get3A_739, %get3A_740] : memref<1x8192xf32, #tpu.memory_space<vmem>>, vector<1x128xf32>
    %add3A_742 = vector.broadcast %broadcast_in_dim3A : vector<256x1xf32> to vector<256x128xf32>
    %add3A_743 = vector.broadcast %get3A_741 : vector<1x128xf32> to vector<256x128xf32>
    %add3A_744 = arith.addf %add3A_742, %add3A_743 : vector<256x128xf32>
    %slice3A_745 = vector.extract_strided_slice %dot_general3A_647 {offsets = [0, 896], sizes = [256, 128], strides = [1, 1]} : vector<256x2048xf32> to vector<256x128xf32>
    %add3A_746 = arith.addf %add3A_744, %slice3A_745 : vector<256x128xf32>
    %lt3A_747 = arith.cmpf olt, %add3A_746, %select_n3A_735 : vector<256x128xf32>
    %select_n3A_748 = arith.select %lt3A_747, %add3A_746, %select_n3A_735 : vector<256x128xi1>, vector<256x128xf32>
    %jit3A_749 = arith.constant 5.500000e+01 : f32
    %broadcast_in_dim3A_750 = vector.broadcast %jit3A_749 : f32 to vector<256x128xf32>
    %select_n3A_751 = arith.select %lt3A_747, %broadcast_in_dim3A_750, %select_n3A_738 : vector<256x128xi1>, vector<256x128xf32>
    %get3A_752 = arith.constant 0 : index
    %get3A_753 = arith.constant 7168 : index
    %get3A_754 = vector.load %arg3[%get3A_752, %get3A_753] : memref<1x8192xf32, #tpu.memory_space<vmem>>, vector<1x128xf32>
    %add3A_755 = vector.broadcast %broadcast_in_dim3A : vector<256x1xf32> to vector<256x128xf32>
    %add3A_756 = vector.broadcast %get3A_754 : vector<1x128xf32> to vector<256x128xf32>
    %add3A_757 = arith.addf %add3A_755, %add3A_756 : vector<256x128xf32>
    %slice3A_758 = vector.extract_strided_slice %dot_general3A_647 {offsets = [0, 1024], sizes = [256, 128], strides = [1, 1]} : vector<256x2048xf32> to vector<256x128xf32>
    %add3A_759 = arith.addf %add3A_757, %slice3A_758 : vector<256x128xf32>
    %lt3A_760 = arith.cmpf olt, %add3A_759, %select_n3A_748 : vector<256x128xf32>
    %select_n3A_761 = arith.select %lt3A_760, %add3A_759, %select_n3A_748 : vector<256x128xi1>, vector<256x128xf32>
    %jit3A_762 = arith.constant 5.600000e+01 : f32
    %broadcast_in_dim3A_763 = vector.broadcast %jit3A_762 : f32 to vector<256x128xf32>
    %select_n3A_764 = arith.select %lt3A_760, %broadcast_in_dim3A_763, %select_n3A_751 : vector<256x128xi1>, vector<256x128xf32>
    %get3A_765 = arith.constant 0 : index
    %get3A_766 = arith.constant 7296 : index
    %get3A_767 = vector.load %arg3[%get3A_765, %get3A_766] : memref<1x8192xf32, #tpu.memory_space<vmem>>, vector<1x128xf32>
    %add3A_768 = vector.broadcast %broadcast_in_dim3A : vector<256x1xf32> to vector<256x128xf32>
    %add3A_769 = vector.broadcast %get3A_767 : vector<1x128xf32> to vector<256x128xf32>
    %add3A_770 = arith.addf %add3A_768, %add3A_769 : vector<256x128xf32>
    %slice3A_771 = vector.extract_strided_slice %dot_general3A_647 {offsets = [0, 1152], sizes = [256, 128], strides = [1, 1]} : vector<256x2048xf32> to vector<256x128xf32>
    %add3A_772 = arith.addf %add3A_770, %slice3A_771 : vector<256x128xf32>
    %lt3A_773 = arith.cmpf olt, %add3A_772, %select_n3A_761 : vector<256x128xf32>
    %select_n3A_774 = arith.select %lt3A_773, %add3A_772, %select_n3A_761 : vector<256x128xi1>, vector<256x128xf32>
    %jit3A_775 = arith.constant 5.700000e+01 : f32
    %broadcast_in_dim3A_776 = vector.broadcast %jit3A_775 : f32 to vector<256x128xf32>
    %select_n3A_777 = arith.select %lt3A_773, %broadcast_in_dim3A_776, %select_n3A_764 : vector<256x128xi1>, vector<256x128xf32>
    %get3A_778 = arith.constant 0 : index
    %get3A_779 = arith.constant 7424 : index
    %get3A_780 = vector.load %arg3[%get3A_778, %get3A_779] : memref<1x8192xf32, #tpu.memory_space<vmem>>, vector<1x128xf32>
    %add3A_781 = vector.broadcast %broadcast_in_dim3A : vector<256x1xf32> to vector<256x128xf32>
    %add3A_782 = vector.broadcast %get3A_780 : vector<1x128xf32> to vector<256x128xf32>
    %add3A_783 = arith.addf %add3A_781, %add3A_782 : vector<256x128xf32>
    %slice3A_784 = vector.extract_strided_slice %dot_general3A_647 {offsets = [0, 1280], sizes = [256, 128], strides = [1, 1]} : vector<256x2048xf32> to vector<256x128xf32>
    %add3A_785 = arith.addf %add3A_783, %slice3A_784 : vector<256x128xf32>
    %lt3A_786 = arith.cmpf olt, %add3A_785, %select_n3A_774 : vector<256x128xf32>
    %select_n3A_787 = arith.select %lt3A_786, %add3A_785, %select_n3A_774 : vector<256x128xi1>, vector<256x128xf32>
    %jit3A_788 = arith.constant 5.800000e+01 : f32
    %broadcast_in_dim3A_789 = vector.broadcast %jit3A_788 : f32 to vector<256x128xf32>
    %select_n3A_790 = arith.select %lt3A_786, %broadcast_in_dim3A_789, %select_n3A_777 : vector<256x128xi1>, vector<256x128xf32>
    %get3A_791 = arith.constant 0 : index
    %get3A_792 = arith.constant 7552 : index
    %get3A_793 = vector.load %arg3[%get3A_791, %get3A_792] : memref<1x8192xf32, #tpu.memory_space<vmem>>, vector<1x128xf32>
    %add3A_794 = vector.broadcast %broadcast_in_dim3A : vector<256x1xf32> to vector<256x128xf32>
    %add3A_795 = vector.broadcast %get3A_793 : vector<1x128xf32> to vector<256x128xf32>
    %add3A_796 = arith.addf %add3A_794, %add3A_795 : vector<256x128xf32>
    %slice3A_797 = vector.extract_strided_slice %dot_general3A_647 {offsets = [0, 1408], sizes = [256, 128], strides = [1, 1]} : vector<256x2048xf32> to vector<256x128xf32>
    %add3A_798 = arith.addf %add3A_796, %slice3A_797 : vector<256x128xf32>
    %lt3A_799 = arith.cmpf olt, %add3A_798, %select_n3A_787 : vector<256x128xf32>
    %select_n3A_800 = arith.select %lt3A_799, %add3A_798, %select_n3A_787 : vector<256x128xi1>, vector<256x128xf32>
    %jit3A_801 = arith.constant 5.900000e+01 : f32
    %broadcast_in_dim3A_802 = vector.broadcast %jit3A_801 : f32 to vector<256x128xf32>
    %select_n3A_803 = arith.select %lt3A_799, %broadcast_in_dim3A_802, %select_n3A_790 : vector<256x128xi1>, vector<256x128xf32>
    %get3A_804 = arith.constant 0 : index
    %get3A_805 = arith.constant 7680 : index
    %get3A_806 = vector.load %arg3[%get3A_804, %get3A_805] : memref<1x8192xf32, #tpu.memory_space<vmem>>, vector<1x128xf32>
    %add3A_807 = vector.broadcast %broadcast_in_dim3A : vector<256x1xf32> to vector<256x128xf32>
    %add3A_808 = vector.broadcast %get3A_806 : vector<1x128xf32> to vector<256x128xf32>
    %add3A_809 = arith.addf %add3A_807, %add3A_808 : vector<256x128xf32>
    %slice3A_810 = vector.extract_strided_slice %dot_general3A_647 {offsets = [0, 1536], sizes = [256, 128], strides = [1, 1]} : vector<256x2048xf32> to vector<256x128xf32>
    %add3A_811 = arith.addf %add3A_809, %slice3A_810 : vector<256x128xf32>
    %lt3A_812 = arith.cmpf olt, %add3A_811, %select_n3A_800 : vector<256x128xf32>
    %select_n3A_813 = arith.select %lt3A_812, %add3A_811, %select_n3A_800 : vector<256x128xi1>, vector<256x128xf32>
    %jit3A_814 = arith.constant 6.000000e+01 : f32
    %broadcast_in_dim3A_815 = vector.broadcast %jit3A_814 : f32 to vector<256x128xf32>
    %select_n3A_816 = arith.select %lt3A_812, %broadcast_in_dim3A_815, %select_n3A_803 : vector<256x128xi1>, vector<256x128xf32>
    %get3A_817 = arith.constant 0 : index
    %get3A_818 = arith.constant 7808 : index
    %get3A_819 = vector.load %arg3[%get3A_817, %get3A_818] : memref<1x8192xf32, #tpu.memory_space<vmem>>, vector<1x128xf32>
    %add3A_820 = vector.broadcast %broadcast_in_dim3A : vector<256x1xf32> to vector<256x128xf32>
    %add3A_821 = vector.broadcast %get3A_819 : vector<1x128xf32> to vector<256x128xf32>
    %add3A_822 = arith.addf %add3A_820, %add3A_821 : vector<256x128xf32>
    %slice3A_823 = vector.extract_strided_slice %dot_general3A_647 {offsets = [0, 1664], sizes = [256, 128], strides = [1, 1]} : vector<256x2048xf32> to vector<256x128xf32>
    %add3A_824 = arith.addf %add3A_822, %slice3A_823 : vector<256x128xf32>
    %lt3A_825 = arith.cmpf olt, %add3A_824, %select_n3A_813 : vector<256x128xf32>
    %select_n3A_826 = arith.select %lt3A_825, %add3A_824, %select_n3A_813 : vector<256x128xi1>, vector<256x128xf32>
    %jit3A_827 = arith.constant 6.100000e+01 : f32
    %broadcast_in_dim3A_828 = vector.broadcast %jit3A_827 : f32 to vector<256x128xf32>
    %select_n3A_829 = arith.select %lt3A_825, %broadcast_in_dim3A_828, %select_n3A_816 : vector<256x128xi1>, vector<256x128xf32>
    %get3A_830 = arith.constant 0 : index
    %get3A_831 = arith.constant 7936 : index
    %get3A_832 = vector.load %arg3[%get3A_830, %get3A_831] : memref<1x8192xf32, #tpu.memory_space<vmem>>, vector<1x128xf32>
    %add3A_833 = vector.broadcast %broadcast_in_dim3A : vector<256x1xf32> to vector<256x128xf32>
    %add3A_834 = vector.broadcast %get3A_832 : vector<1x128xf32> to vector<256x128xf32>
    %add3A_835 = arith.addf %add3A_833, %add3A_834 : vector<256x128xf32>
    %slice3A_836 = vector.extract_strided_slice %dot_general3A_647 {offsets = [0, 1792], sizes = [256, 128], strides = [1, 1]} : vector<256x2048xf32> to vector<256x128xf32>
    %add3A_837 = arith.addf %add3A_835, %slice3A_836 : vector<256x128xf32>
    %lt3A_838 = arith.cmpf olt, %add3A_837, %select_n3A_826 : vector<256x128xf32>
    %select_n3A_839 = arith.select %lt3A_838, %add3A_837, %select_n3A_826 : vector<256x128xi1>, vector<256x128xf32>
    %jit3A_840 = arith.constant 6.200000e+01 : f32
    %broadcast_in_dim3A_841 = vector.broadcast %jit3A_840 : f32 to vector<256x128xf32>
    %select_n3A_842 = arith.select %lt3A_838, %broadcast_in_dim3A_841, %select_n3A_829 : vector<256x128xi1>, vector<256x128xf32>
    %get3A_843 = arith.constant 0 : index
    %get3A_844 = arith.constant 8064 : index
    %get3A_845 = vector.load %arg3[%get3A_843, %get3A_844] : memref<1x8192xf32, #tpu.memory_space<vmem>>, vector<1x128xf32>
    %add3A_846 = vector.broadcast %broadcast_in_dim3A : vector<256x1xf32> to vector<256x128xf32>
    %add3A_847 = vector.broadcast %get3A_845 : vector<1x128xf32> to vector<256x128xf32>
    %add3A_848 = arith.addf %add3A_846, %add3A_847 : vector<256x128xf32>
    %slice3A_849 = vector.extract_strided_slice %dot_general3A_647 {offsets = [0, 1920], sizes = [256, 128], strides = [1, 1]} : vector<256x2048xf32> to vector<256x128xf32>
    %add3A_850 = arith.addf %add3A_848, %slice3A_849 : vector<256x128xf32>
    %lt3A_851 = arith.cmpf olt, %add3A_850, %select_n3A_839 : vector<256x128xf32>
    %select_n3A_852 = arith.select %lt3A_851, %add3A_850, %select_n3A_839 : vector<256x128xi1>, vector<256x128xf32>
    %jit3A_853 = arith.constant 6.300000e+01 : f32
    %broadcast_in_dim3A_854 = vector.broadcast %jit3A_853 : f32 to vector<256x128xf32>
    %select_n3A_855 = arith.select %lt3A_851, %broadcast_in_dim3A_854, %select_n3A_842 : vector<256x128xi1>, vector<256x128xf32>
    %iota3A = tpu.iota {dimensions = array<i32: 1>} : vector<256x128xi32>
    %convert_element_type3A = arith.sitofp %iota3A : vector<256x128xi32> to vector<256x128xf32>
    %mul3A_856 = arith.constant 1.280000e+02 : f32
    %mul3A_857 = vector.broadcast %mul3A_856 : f32 to vector<256x128xf32>
    %mul3A_858 = arith.mulf %select_n3A_855, %mul3A_857 : vector<256x128xf32>
    %add3A_859 = arith.addf %mul3A_858, %convert_element_type3A : vector<256x128xf32>
    %reduce_min3A = arith.constant dense<0x7F800000> : vector<256xf32>
    %reduce_min3A_860 = vector.multi_reduction <minimumf>, %select_n3A_852, %reduce_min3A [1] : vector<256x128xf32> to vector<256xf32>
    %broadcast_in_dim3A_861 = vector.shape_cast %reduce_min3A_860 : vector<256xf32> to vector<256x1xf32>
    %le3A = vector.broadcast %broadcast_in_dim3A_861 : vector<256x1xf32> to vector<256x128xf32>
    %le3A_862 = arith.cmpf ole, %select_n3A_852, %le3A : vector<256x128xf32>
    %jit3A_863 = arith.constant 8.192000e+03 : f32
    %broadcast_in_dim3A_864 = vector.broadcast %jit3A_863 : f32 to vector<256x128xf32>
    %select_n3A_865 = arith.select %le3A_862, %add3A_859, %broadcast_in_dim3A_864 : vector<256x128xi1>, vector<256x128xf32>
    %reduce_min3A_866 = arith.constant dense<0x7F800000> : vector<256xf32>
    %reduce_min3A_867 = vector.multi_reduction <minimumf>, %select_n3A_865, %reduce_min3A_866 [1] : vector<256x128xf32> to vector<256xf32>
    %broadcast_in_dim3A_868 = vector.shape_cast %reduce_min3A_867 : vector<256xf32> to vector<256x1xf32>
    %convert_element_type3A_869 = arith.fptosi %broadcast_in_dim3A_868 : vector<256x1xf32> to vector<256x1xi32>
    %swap3A = arith.constant 0 : index
    %swap3A_870 = arith.constant 0 : index
    %swap3A_871 = vector.load %arg4[%swap3A, %swap3A_870] : memref<256x1xi32, #tpu.memory_space<vmem>>, vector<256x1xi32>
    tpu.vector_store %arg4[%swap3A, %swap3A_870], %convert_element_type3A_869 {strides = array<i32>} : memref<256x1xi32, #tpu.memory_space<vmem>>, vector<256x1xi32>,
    return
  }
  func.func @transform_0(%arg0: i32) -> (i32, i32) {
    %c0_i32 = arith.constant 0 : i32
    %c0_i32_0 = arith.constant 0 : i32
    return %arg0, %c0_i32 : i32, i32
  }
  func.func @transform_1(%arg0: i32) -> (i32, i32) {
    %c0_i32 = arith.constant 0 : i32
    %c0_i32_0 = arith.constant 0 : i32
    %c0_i32_1 = arith.constant 0 : i32
    return %c0_i32, %c0_i32_0 : i32, i32
  }
  func.func @transform_2(%arg0: i32) -> (i32, i32) {
    %c0_i32 = arith.constant 0 : i32
    %c0_i32_0 = arith.constant 0 : i32
    %c0_i32_1 = arith.constant 0 : i32
    return %c0_i32, %c0_i32_0 : i32, i32
  }
  func.func @transform_3(%arg0: i32) -> (i32, i32) {
    %c0_i32 = arith.constant 0 : i32
    %c0_i32_0 = arith.constant 0 : i32
    return %arg0, %c0_i32 : i32, i32
  }
}

</mosaic_0001>

<sc_bundles>
// kernel: kernel.4.cloned.1.call-start
scs
__scs_entry_jumppad:
0x0: {  	(pc) =	sbr.rel $0x88, $3  }
0x1: {  	(tag) =	ssettag $0x0;
	lr =	simm.s32 $0x1  }
0x2: {  	[smem:$0x3F9F] =	sst lr;
	_ =	strace $0xD0000000  }
0x3: {  	_ = 	snop  }
0x4: {  	_ = 	snop  }
0x5: {  	_ = 	snop  }
0x6: {  	_ = 	snop  }
0x7: {  	_ = 	snop  }
__scs_overlays_trampoline_lowered:
0x8: {  	[smem:$0x3FAE] =	sst s0  }
0x9: {  	[smem:$0x3FAF] =	sst s1  }
0xa: {  	[smem:$0x3FB0] =	sst s2  }
0xb: {  	[smem:$0x3FB1] =	sst s3  }
0xc: {  	[smem:$0x3FB2] =	sst s4  }
0xd: {  	[smem:$0x3FB3] =	sst s5  }
0xe: {  	[smem:$0x3FB4] =	sst s6  }
0xf: {  	[smem:$0x3FB5] =	sst s7  }
0x10: {  	[smem:$0x3FB6] =	sst s8  }
0x11: {  	[smem:$0x3FB7] =	sst s9;
	s0 =	simm.s32 @!p0 $0x0  }
0x12: {  	s1 =	sld [smem:$0x3F9D];
	s0 =	simm.s32 @p0 $0x1  }
0x13: {  	[smem:$0x3FB8] =	sst s0;
	s0 =	simm.s32 @!p1 $0x0  }
0x14: {  	s2 =	sld [smem:$0x3F9C];
	s0 =	simm.s32 @p1 $0x1  }
0x15: {  	[smem:$0x3FB9] =	sst s0;
	s0 =	simm.s32 @!p2 $0x0  }
0x16: {  	s3 =	sld [smem:$0x3FDB];
	s0 =	simm.s32 @p2 $0x1  }
0x17: {  	s4 =	simm.s32 $0x1BF5;
	[smem:$0x3FBB] =	sst s0  }
0x18: {  	s0 =	sld [smem:$0x3F9E];
	_ =	swait.ge [sflag:s4], $0x0  }
0x19: {  	s7 =	sld [smem:$0x3F9F]  }
0x1a: {  	s8 =	sadd.s32 $0xFFFFE003, lr  }
0x1b: {  	s9 =	sadd.s32 $0xFFFFFEF7, lr;
	s5 =	simm.s32 $0xFFFFFFFF;
	p2 =	slt.u32 s8, $0xFFFFF086  }
0x1c: {  	p1 =	slt.u32 s9, $0xF7A;
	s5 =	simm.s32 @!p2 $0x0  }
0x1d: {  	s5 =	simm.s32 @p1 $0x1;
	p0 =	seq.s32 s7, s2  }
0x1e: {  	s7 =	smul.u32 @!p0 $0xF7A, s2;
	p2 =	seq.s32 @!p0 s5, $0x0  }
0x1f: {  	s9 =	smul.u32 $0xF7A, s1;
	s8 =	simm.s32 @!p0 $0x1BF5;
	p2 =	por !p2, p0  }
0x20: {  	[sflag:s8] =	ssyncset.s32 @!p0 $0xFFFFF086;
	s6 =	sadd.s32 @!p0 s3, s7;
	s7 =	simm.s32 @!p0 $0x108  }
0x21: {  	s3 =	sadd.s32 s3, s9;
	s6 =	sadd.s32 @!p0 $0x88, s6;
	s7 =	simm.s32 @p2 $0x1082  }
0x22: {  	[simem:s7], [sflag:s8] =	dma.local @!p0 [hbm:s6], $0xF7A  }
0x23: {  	s9 =	sor.u32 $0xD0000000, s2;
	s6 =	simm.s32 $0x108;
	_ =	swait.ge @!p0 [sflag:s8], $0x0  }
0x24: {  	s3 =	sadd.s32 $0x88, s3;
	s6 =	simm.s32 @!p1 $0x1082;
	[sflag:s4] =	ssyncset.s32 $0xFFFFF086  }
0x25: {  	[simem:s6], [sflag:s4] =	dma.local [hbm:s3], $0xF7A  }
0x26: {  	[smem:$0x3F9F] =	sst s1;
	(tag) =	ssettag s2;
	_ =	strace s9  }
0x27: {  	s1 =	sld [smem:$0x3FAF]  }
0x28: {  	s2 =	sld [smem:$0x3FB0]  }
0x29: {  	s4 =	sld [smem:$0x3FB2]  }
0x2a: {  	p0 =	seq.s32 s5, $0x0;
	s5 =	sld [smem:$0x3FB3]  }
0x2b: {  	s6 =	sld [smem:$0x3FB4]  }
0x2c: {  	s7 =	sld [smem:$0x3FB5]  }
0x2d: {  	s3 =	simm.s32 $0x108;
	s8 =	sld [smem:$0x3FB6]  }
0x2e: {  	s3 =	simm.s32 @!p0 $0x1082;
	s9 =	sld [smem:$0x3FB7]  }
0x2f: {  	lr =	sadd.s32 s0, s3;
	s0 =	sld [smem:$0x3FAE]  }
0x30: {  	s3 =	sld [smem:$0x3FB1]  }
0x31: {  	[smem:$0x3FBA] =	sst s10  }
0x32: {  	s10 =	sld [smem:$0x3FB8];
	_ =	sdelay $0x3  }
0x33: {  	p0 =	seq.s32 s10, $0x1;
	s10 =	sld [smem:$0x3FBA];
	_ =	sdelay $0x3  }
0x34: {  	[smem:$0x3FBA] =	sst s10  }
0x35: {  	s10 =	sld [smem:$0x3FB9];
	_ =	sdelay $0x3  }
0x36: {  	p1 =	seq.s32 s10, $0x1;
	s10 =	sld [smem:$0x3FBA];
	_ =	sdelay $0x3  }
0x37: {  	[smem:$0x3FBA] =	sst s10  }
0x38: {  	s10 =	sld [smem:$0x3FBB]  }
0x39: {  	_ = 	snop;
	(pc) =	sbr.ind lr, $3  }
0x3a: {  	_ = 	snop  }
0x3b: {  	_ = 	snop  }
0x3c: {  	p2 =	seq.s32 s10, $0x1;
	s10 =	sld [smem:$0x3FBA]  }
0x3d: {  	_ =	shalt  }
0x3e: {  	_ =	shalt  }
0x3f: {  	_ =	shalt  }
0x40: {  	_ =	shalt  }
0x41: {  	_ =	shalt  }
0x42: {  	_ =	shalt  }
0x43: {  	_ =	shalt  }
0x44: {  	_ =	shalt  }
0x45: {  	_ =	shalt  }
0x46: {  	_ =	shalt  }
0x47: {  	_ =	shalt  }
0x48: {  	_ =	shalt  }
0x49: {  	_ =	shalt  }
0x4a: {  	_ =	shalt  }
0x4b: {  	_ =	shalt  }
0x4c: {  	_ =	shalt  }
0x4d: {  	_ =	shalt  }
0x4e: {  	_ =	shalt  }
0x4f: {  	_ =	shalt  }
0x50: {  	_ =	shalt  }
0x51: {  	_ =	shalt  }
0x52: {  	_ =	shalt  }
0x53: {  	_ =	shalt  }
0x54: {  	_ =	shalt  }
0x55: {  	_ =	shalt  }
0x56: {  	_ =	shalt  }
0x57: {  	_ =	shalt  }
0x58: {  	_ =	shalt  }
0x59: {  	_ =	shalt  }
0x5a: {  	_ =	shalt  }
0x5b: {  	_ =	shalt  }
0x5c: {  	_ =	shalt  }
0x5d: {  	_ =	shalt  }
0x5e: {  	_ =	shalt  }
0x5f: {  	_ =	shalt  }
0x60: {  	_ =	shalt  }
0x61: {  	_ =	shalt  }
0x62: {  	_ =	shalt  }
0x63: {  	_ =	shalt  }
0x64: {  	_ =	shalt  }
0x65: {  	_ =	shalt  }
0x66: {  	_ =	shalt  }
0x67: {  	_ =	shalt  }
0x68: {  	_ =	shalt  }
0x69: {  	_ =	shalt  }
0x6a: {  	_ =	shalt  }
0x6b: {  	_ =	shalt  }
0x6c: {  	_ =	shalt  }
0x6d: {  	_ =	shalt  }
0x6e: {  	_ =	shalt  }
0x6f: {  	_ =	shalt  }
0x70: {  	_ =	shalt  }
0x71: {  	_ =	shalt  }
0x72: {  	_ =	shalt  }
0x73: {  	_ =	shalt  }
0x74: {  	_ =	shalt  }
0x75: {  	_ =	shalt  }
0x76: {  	_ =	shalt  }
0x77: {  	_ =	shalt  }
0x78: {  	_ =	shalt  }
0x79: {  	_ =	shalt  }
0x7a: {  	_ =	shalt  }
0x7b: {  	_ =	shalt  }
0x7c: {  	_ =	shalt  }
0x7d: {  	_ =	shalt  }
0x7e: {  	_ =	shalt  }
0x7f: {  	_ =	shalt  }
0x80: {  	_ =	shalt  }
0x81: {  	_ =	shalt  }
0x82: {  	_ =	shalt  }
0x83: {  	_ =	shalt  }
0x84: {  	_ =	shalt  }
0x85: {  	_ =	shalt  }
0x86: {  	_ =	shalt  }
0x87: {  	_ =	shalt  }
.Lfunc_end0:
.L_simem_size_0:
called_computation_lowered:
.L_overlay_start_0:
0x88: {  	s2 =	sld [smem:$0x3FD9]  }
0x89: {  	s3 =	sld [smem:$0x3FFE];
	_ =	sdelay $0x1  }
0x8a: {  	s1 =	srdreg.scid  }
0x8b: {  	s0 =	sand.u32 $0x1, s1  }
0x8c: {  	s17 =	sshll.u32 s0, $0xA;
	s2 =	sadd.s32 s3, s2  }
0x8d: {  	s2 =	sadd.s32 s2, s17  }
0x8e: {  	[smem:$0x3FC6] =	sst s2  }
0x8f: {  	_ = 	snop  }
0x90: {  	s2 =	sld [smem:$0x3FC8]  }
0x91: {  	s18 =	sld [smem:$0x3FD0];
	(tm) =	ssettm $0x1  }
0x92: {  	s4 =	sld [smem:$0x3FFB];
	_ =	sdelay $0x3  }
0x93: {  	_ =	strace s4  }
0x94: {  	s4 =	sld [smem:$0x3FFC];
	_ =	sdelay $0x3  }
0x95: {  	_ =	strace s4  }
0x96: {  	s4 =	sld [smem:$0x3FFD];
	_ =	sdelay $0x3  }
0x97: {  	_ =	strace s4  }
0x98: {  	_ =	strace $0x8FFFFFFF  }
0x99: {  	s19 =	sld [smem:$0x3FDB];
	_ =	sdelay $0x1  }
0x9a: {  	s5 =	simm.s32 $_scs_section_size  }
0x9b: {  	s6 =	simm.s32 $_size__tile_overlayer_lowered;
	s7 =	simm.s32 $_tile_overlayer_lowered  }
0x9c: {  	s22 =	simm.s32 $0x1BFF;
	s21 =	sshll.u32 s7, $0x1;
	s4 =	sadd.s32 s5, s19  }
0x9d: {  	s8 =	simm.s32 $0x0;
	s20 =	sshll.u32 s6, $0x1;
	s6 =	sadd.s32 s21, s4  }
0x9e: {  	[timem:s8], [sflag:s22] =	dma.local [hbm:s6], s20  }
0x9f: {  	_ =	swait.ge [sflag:s22], s20  }
0xa0: {  	s5 =	ssub.s32 $0x0, s20;
	[sflag:s22] =	ssyncset.done $0x0  }
0xa1: {  	[sflag:s22] =	ssyncadd.s32 s5;
	_ =	sdelay $0x1  }
0xa2: {  	s23 =	simm.s32 $0x1B8B  }
0xa3: {  	_ =	swait.ge [sflag:s23], $0x1  }
0xa4: {  	[sflag:s23] =	ssyncset.done $0x0  }
0xa5: {  	s25 =	simm.s32 $0x1B8E;
	s24 =	sld [smem:$0x3FFE];
	[sflag:s23] =	ssyncadd.s32 $0xFFFFFFFF  }
0xa6: {  	s26 =	simm.s32 $execute0_lowered;
	[smem:$0x3FD2] =	sst s25  }
0xa7: {  	s6 =	sshll.u32 s26, $0x1;
	_ =	strace $0x80000046;
	[dreg:$0x1] =	wrdreg $0xFFFFFFFF  }
0xa8: {  	s28 =	simm.s32 $_size_execute0_lowered;
	s4 =	sadd.s32 s4, s6;
	[dreg:$0x0] =	wrdreg $0x0  }
0xa9: {  	s6 =	sshll.u32 s28, $0x1;
	[dreg:$0x2] =	wrdreg s4  }
0xaa: {  	[dreg:$0x3] =	wrdreg s6  }
0xab: {  	[dreg:$0x4] =	wrdreg $0xC0  }
0xac: {  	_ =	task [dreg:s8], $0x5FFFF  }
0xad: {  	[dreg:$0x1] =	wrdreg $0xFFFFFFFF  }
0xae: {  	[dreg:$0x0] =	wrdreg $0x60  }
0xaf: {  	[dreg:$0x2] =	wrdreg s2  }
0xb0: {  	[dreg:$0x3] =	wrdreg s24  }
0xb1: {  	[dreg:$0x4] =	wrdreg s18  }
0xb2: {  	[dreg:$0x5] =	wrdreg $0x9  }
0xb3: {  	_ =	task.clear_ibuf [dreg:s8], $0x6FFFF;
	_ =	strace $0x90000046  }
0xb4: {  	s29 =	simm.s32 $0x9;
	_ =	strace $0x80000048  }
0xb5: {  	_ =	swait.ge [sflag:s29], $0x1  }
0xb6: {  	[sflag:s29] =	ssyncadd.s32 $0xFFFFFFFF  }
0xb7: {  	_ =	strace $0x90000048  }
0xb8: {  	_ =	sfence  }
0xb9: {  	s30 =	sld [smem:$0x0];
	_ =	sdelay $0x2  }
0xba: {  	s31 =	sshll.u32 s1, $0xD;
	s1 =	sshrl.u32 s1, $0x2  }
0xbb: {  	s3 =	sand.u32 $0x4000, s31;
	s1 =	sadd.s32 s1, s30  }
0xbc: {  	s0 =	sor.u32 s3, s0;
	s1 =	sshll.u32 s1, $0x11  }
0xbd: {  	s0 =	sor.u32 s1, s0  }
0xbe: {  	s0 =	sadd.s32 $0x8F2B, s0  }
0xbf: {  	[sflag:s0] =	ssyncadd.remote.s32 $0x1  }
0xc0: {  	_ =	sfence.sel $0xFFFF  }
0xc1: {  	[dreg:$0x0] =	wrdreg $0xFFFFFFFF;
	(pc) =	sbr.abs _section_cstart, $3  }
0xc2: {  	[dreg:$0x1] =	wrdreg $0xFFFFFFFF  }
0xc3: {  	_ =	task.clear_ibuf [dreg:s8], $0x2FFFF;
	_ =	strace $0x9FFFFFFF  }
0xc4: {  	(tm) =	ssettm $0x7FFFFFFF  }
0xc5: {  	_ =	shalt  }
tec
execute0_lowered:
.L_overlay_start_1:
0x0: {  	(tag) =	ssettag $0x1  }
0x1: {  	s1 =	rddreg [dreg:$0x0];
	s0 =	srdreg.scid  }
0x2: {  	s2 =	rddreg [dreg:$0x1];
	s3 =	stileid.u32  }
0x3: {  	s4 =	rddreg [dreg:$0x2];
	s15 =	simm.s32 $0x3;
	s16 =	simm.s32 $0x2  }
0x4: {  	s17 =	simm.s32 $0x4;
	s19 =	simm.s32 $0x1200;
	s20 =	simm.s32 $0x1A00  }
0x5: {  	s21 =	simm.s32 $0x2200;
	s22 =	simm.s32 $0x2A00;
	s28 =	simm.s32 $0x4A00  }
0x6: {  	s29 =	simm.s32 $0x5200;
	s30 =	simm.s32 $0x5A00;
	s31 =	simm.s32 $0x6200  }
0x7: {  	s8 =	simm.s32 $0x7A00;
	s14 =	simm.s32 $0x8200;
	s9 =	simm.s32 $0x8A00  }
0x8: {  	s10 =	simm.s32 $0x9200;
	s11 =	simm.s32 $0x9A00;
	s0 =	sand.u32 $0x1, s0  }
0x9: {  	s13 =	simm.s32 $0xAA00;
	s5 =	sshll.u32 s3, $0xA;
	s6 =	sshll.u32 s0, $0x9  }
0xa: {  	s7 =	simm.s32 $0xBA00;
	s3 =	simm.s32 $0x0;
	s5 =	sor.u32 s6, s5  }
0xb: {  	[smem:$0x7FF] =	sst s3;
	s0 =	ssub.s32 $0x2, s0;
	s6 =	sshrl.u32 s5, $0x3  }
0xc: {  	_ =	strace $0x80000047;
	s5 =	sshll.u32 s5, $0x5;
	s2 =	sadd.s32 s2, s6  }
0xd: {  	s24 =	sshrl.u32 s0, $0x1;
	s4 =	sadd.s32 s4, s5;
	[dreg:$0x4] =	wrdreg s2  }
0xe: {  	s0 =	ssub.s32 s0, s24;
	s23 =	sadd.s32 $0x1000, s4;
	[dreg:$0x8] =	wrdreg s4  }
0xf: {  	s24 =	simm.s32 $0x3200;
	s25 =	sadd.s32 $0x2000, s4;
	[dreg:$0x5] =	wrdreg s23  }
0x10: {  	v2 =	vlaneseq.u32;
	s5 =	smax.u32 s0, $0x1;
	s26 =	sadd.s32 $0x3000, s4;
	[dreg:$0x6] =	wrdreg s25  }
0x11: {  	vm0 =	vmmov $0xffff;
	v1 =	vshrl.u32 v2, $0x3;
	s4 =	simm.s32 $0x1;
	s2 =	simm.s32 $0x6A00;
	[dreg:$0x7] =	wrdreg s26  }
0x12: {  	v0 =	vand.u32 $0x7, v2;
	v2 =	vor.u32 $0x8, v2;
	v1 =	vmul.u32 $0x8, v1;
	s25 =	simm.s32 $0x3A00;
	s26 =	simm.s32 $0x4200;
	s23 =	simm.s32 $0x200  }
.LBB2_1:
0x13: {  	s18 =	rddreg [dreg:$0x4];
	s0 =	simm.s32 $0x5  }
0x14: {  	[tilespmem:s3], [sflag:$0x5] =	stream.linear.gather [hbm4b:s18+s3], $0x200, $0x38;
	[tilespmem:$0x10200] =	vst v63  }
0x15: {  	_ =	swait.ge [sflag:s0], $0x200  }
0x16: {  	[sflag:s0] =	ssyncset.done $0x0  }
0x17: {  	[sflag:s0] =	ssyncadd.s32 $0xFFFFFE00  }
0x18: {  	v3 =	vld [tilespmem:$0x0];
	_ =	sdelay $0x4  }
0x19: {  	v4 =	vshll.u32 v3, $0x1  }
0x1a: {  	v3 =	vand.u32 $0x7, v3;
	v4 =	vand.u32 $0xFFFFFFF0, v4  }
0x1b: {  	v3 =	vor.u32 v3, v4  }
0x1c: {  	v4 =	vperm.xlane v3, v0;
	_ =	sdelay $0x1  }
0x1d: {  	v3 =	vperm.xlane v3, v2;
	v4 =	vadd.s32 v1, v4;
	_ =	sdelay $0x1  }
0x1e: {  	v3 =	vadd.s32 v1, v3;
	_ =	sdelay $0x1  }
0x1f: {  	s18 =	simm.s32 $0x200  }
0x20: {  	[tilespmem:s18], [sflag:$0x1] =	stream.indirect_vreg.gather [hbm4b:s1+s3], $0x80, v4, vm0, $0xb8;
	[tilespmem:$0x10200] =	vst v63  }
0x21: {  	s18 =	simm.s32 $0xA00  }
0x22: {  	[tilespmem:s18], [sflag:$0x1] =	stream.indirect_vreg.gather [hbm4b:s1+s3], $0x80, v3, vm0, $0xb8;
	[tilespmem:$0x10200] =	vst v63  }
0x23: {  	v3 =	vld [tilespmem:$0x10];
	_ =	sdelay $0x4  }
0x24: {  	v33 =	vshll.u32 v3, $0x1  }
0x25: {  	v3 =	vand.u32 $0x7, v3;
	v4 =	vand.u32 $0xFFFFFFF0, v33  }
0x26: {  	v3 =	vor.u32 v3, v4  }
0x27: {  	v4 =	vperm.xlane v3, v0;
	_ =	sdelay $0x1  }
0x28: {  	v3 =	vperm.xlane v3, v2;
	v4 =	vadd.s32 v1, v4;
	_ =	sdelay $0x1  }
0x29: {  	v3 =	vadd.s32 v1, v3;
	_ =	sdelay $0x2  }
0x2a: {  	[tilespmem:s19], [sflag:$0x1] =	stream.indirect_vreg.gather [hbm4b:s1+s3], $0x80, v4, vm0, $0xb8;
	[tilespmem:$0x10200] =	vst v63  }
0x2b: {  	_ = 	snop  }
0x2c: {  	[tilespmem:s20], [sflag:$0x1] =	stream.indirect_vreg.gather [hbm4b:s1+s3], $0x80, v3, vm0, $0xb8;
	[tilespmem:$0x10200] =	vst v63  }
0x2d: {  	v3 =	vld [tilespmem:$0x20];
	_ =	sdelay $0x4  }
0x2e: {  	v34 =	vshll.u32 v3, $0x1  }
0x2f: {  	v3 =	vand.u32 $0x7, v3;
	v4 =	vand.u32 $0xFFFFFFF0, v34  }
0x30: {  	v3 =	vor.u32 v3, v4  }
0x31: {  	v4 =	vperm.xlane v3, v0;
	_ =	sdelay $0x1  }
0x32: {  	v3 =	vperm.xlane v3, v2;
	v4 =	vadd.s32 v1, v4;
	_ =	sdelay $0x1  }
0x33: {  	v3 =	vadd.s32 v1, v3;
	_ =	sdelay $0x2  }
0x34: {  	[tilespmem:s21], [sflag:$0x1] =	stream.indirect_vreg.gather [hbm4b:s1+s3], $0x80, v4, vm0, $0xb8;
	[tilespmem:$0x10200] =	vst v63  }
0x35: {  	_ = 	snop  }
0x36: {  	[tilespmem:s22], [sflag:$0x1] =	stream.indirect_vreg.gather [hbm4b:s1+s3], $0x80, v3, vm0, $0xb8;
	[tilespmem:$0x10200] =	vst v63  }
0x37: {  	v3 =	vld [tilespmem:$0x30];
	_ =	sdelay $0x4  }
0x38: {  	v35 =	vshll.u32 v3, $0x1  }
0x39: {  	v3 =	vand.u32 $0x7, v3;
	v4 =	vand.u32 $0xFFFFFFF0, v35  }
0x3a: {  	v3 =	vor.u32 v3, v4  }
0x3b: {  	v4 =	vperm.xlane v3, v0;
	_ =	sdelay $0x1  }
0x3c: {  	v3 =	vperm.xlane v3, v2;
	v4 =	vadd.s32 v1, v4;
	_ =	sdelay $0x1  }
0x3d: {  	v3 =	vadd.s32 v1, v3;
	_ =	sdelay $0x2  }
0x3e: {  	[tilespmem:s24], [sflag:$0x1] =	stream.indirect_vreg.gather [hbm4b:s1+s3], $0x80, v4, vm0, $0xb8;
	[tilespmem:$0x10200] =	vst v63  }
0x3f: {  	_ = 	snop  }
0x40: {  	[tilespmem:s25], [sflag:$0x1] =	stream.indirect_vreg.gather [hbm4b:s1+s3], $0x80, v3, vm0, $0xb8;
	[tilespmem:$0x10200] =	vst v63  }
0x41: {  	v3 =	vld [tilespmem:$0x40];
	_ =	sdelay $0x4  }
0x42: {  	v36 =	vshll.u32 v3, $0x1  }
0x43: {  	v3 =	vand.u32 $0x7, v3;
	v4 =	vand.u32 $0xFFFFFFF0, v36  }
0x44: {  	v3 =	vor.u32 v3, v4  }
0x45: {  	v4 =	vperm.xlane v3, v0;
	_ =	sdelay $0x1  }
0x46: {  	v3 =	vperm.xlane v3, v2;
	v4 =	vadd.s32 v1, v4;
	_ =	sdelay $0x1  }
0x47: {  	v3 =	vadd.s32 v1, v3;
	_ =	sdelay $0x2  }
0x48: {  	[tilespmem:s26], [sflag:$0x1] =	stream.indirect_vreg.gather [hbm4b:s1+s3], $0x80, v4, vm0, $0xb8;
	[tilespmem:$0x10200] =	vst v63  }
0x49: {  	_ = 	snop  }
0x4a: {  	[tilespmem:s28], [sflag:$0x1] =	stream.indirect_vreg.gather [hbm4b:s1+s3], $0x80, v3, vm0, $0xb8;
	[tilespmem:$0x10200] =	vst v63  }
0x4b: {  	v3 =	vld [tilespmem:$0x50];
	_ =	sdelay $0x4  }
0x4c: {  	v37 =	vshll.u32 v3, $0x1  }
0x4d: {  	v3 =	vand.u32 $0x7, v3;
	v4 =	vand.u32 $0xFFFFFFF0, v37  }
0x4e: {  	v3 =	vor.u32 v3, v4  }
0x4f: {  	v4 =	vperm.xlane v3, v0;
	_ =	sdelay $0x1  }
0x50: {  	v3 =	vperm.xlane v3, v2;
	v4 =	vadd.s32 v1, v4;
	_ =	sdelay $0x1  }
0x51: {  	v3 =	vadd.s32 v1, v3;
	_ =	sdelay $0x2  }
0x52: {  	[tilespmem:s29], [sflag:$0x1] =	stream.indirect_vreg.gather [hbm4b:s1+s3], $0x80, v4, vm0, $0xb8;
	[tilespmem:$0x10200] =	vst v63  }
0x53: {  	_ = 	snop  }
0x54: {  	[tilespmem:s30], [sflag:$0x1] =	stream.indirect_vreg.gather [hbm4b:s1+s3], $0x80, v3, vm0, $0xb8;
	[tilespmem:$0x10200] =	vst v63  }
0x55: {  	v3 =	vld [tilespmem:$0x60];
	_ =	sdelay $0x4  }
0x56: {  	v38 =	vshll.u32 v3, $0x1  }
0x57: {  	v3 =	vand.u32 $0x7, v3;
	v4 =	vand.u32 $0xFFFFFFF0, v38  }
0x58: {  	v3 =	vor.u32 v3, v4  }
0x59: {  	v4 =	vperm.xlane v3, v0;
	_ =	sdelay $0x1  }
0x5a: {  	v3 =	vperm.xlane v3, v2;
	v4 =	vadd.s32 v1, v4;
	_ =	sdelay $0x1  }
0x5b: {  	v3 =	vadd.s32 v1, v3;
	_ =	sdelay $0x2  }
0x5c: {  	[tilespmem:s31], [sflag:$0x1] =	stream.indirect_vreg.gather [hbm4b:s1+s3], $0x80, v4, vm0, $0xb8;
	[tilespmem:$0x10200] =	vst v63  }
0x5d: {  	_ = 	snop  }
0x5e: {  	[tilespmem:s2], [sflag:$0x1] =	stream.indirect_vreg.gather [hbm4b:s1+s3], $0x80, v3, vm0, $0xb8;
	[tilespmem:$0x10200] =	vst v63  }
0x5f: {  	v3 =	vld [tilespmem:$0x70];
	_ =	sdelay $0x4  }
0x60: {  	v39 =	vshll.u32 v3, $0x1  }
0x61: {  	v3 =	vand.u32 $0x7, v3;
	v4 =	vand.u32 $0xFFFFFFF0, v39  }
0x62: {  	v3 =	vor.u32 v3, v4  }
0x63: {  	v4 =	vperm.xlane v3, v0;
	_ =	sdelay $0x1  }
0x64: {  	v3 =	vperm.xlane v3, v2;
	v4 =	vadd.s32 v1, v4;
	_ =	sdelay $0x1  }
0x65: {  	v3 =	vadd.s32 v1, v3;
	_ =	sdelay $0x1  }
0x66: {  	s0 =	simm.s32 $0x7200  }
0x67: {  	[tilespmem:s0], [sflag:$0x1] =	stream.indirect_vreg.gather [hbm4b:s1+s3], $0x80, v4, vm0, $0xb8;
	[tilespmem:$0x10200] =	vst v63  }
0x68: {  	_ = 	snop  }
0x69: {  	[tilespmem:s8], [sflag:$0x1] =	stream.indirect_vreg.gather [hbm4b:s1+s3], $0x80, v3, vm0, $0xb8;
	[tilespmem:$0x10200] =	vst v63  }
0x6a: {  	v3 =	vld [tilespmem:$0x80];
	_ =	sdelay $0x4  }
0x6b: {  	v40 =	vshll.u32 v3, $0x1  }
0x6c: {  	v3 =	vand.u32 $0x7, v3;
	v4 =	vand.u32 $0xFFFFFFF0, v40  }
0x6d: {  	v3 =	vor.u32 v3, v4  }
0x6e: {  	v4 =	vperm.xlane v3, v0;
	_ =	sdelay $0x1  }
0x6f: {  	v3 =	vperm.xlane v3, v2;
	v4 =	vadd.s32 v1, v4;
	_ =	sdelay $0x1  }
0x70: {  	v3 =	vadd.s32 v1, v3;
	_ =	sdelay $0x2  }
0x71: {  	[tilespmem:s14], [sflag:$0x2] =	stream.indirect_vreg.gather [hbm4b:s1+s3], $0x80, v4, vm0, $0xb8;
	[tilespmem:$0x10200] =	vst v63  }
0x72: {  	_ = 	snop  }
0x73: {  	[tilespmem:s9], [sflag:$0x2] =	stream.indirect_vreg.gather [hbm4b:s1+s3], $0x80, v3, vm0, $0xb8;
	[tilespmem:$0x10200] =	vst v63  }
0x74: {  	v3 =	vld [tilespmem:$0x90];
	_ =	sdelay $0x4  }
0x75: {  	v41 =	vshll.u32 v3, $0x1  }
0x76: {  	v3 =	vand.u32 $0x7, v3;
	v4 =	vand.u32 $0xFFFFFFF0, v41  }
0x77: {  	v3 =	vor.u32 v3, v4  }
0x78: {  	v4 =	vperm.xlane v3, v0;
	_ =	sdelay $0x1  }
0x79: {  	v3 =	vperm.xlane v3, v2;
	v4 =	vadd.s32 v1, v4;
	_ =	sdelay $0x1  }
0x7a: {  	v3 =	vadd.s32 v1, v3;
	_ =	sdelay $0x2  }
0x7b: {  	[tilespmem:s10], [sflag:$0x2] =	stream.indirect_vreg.gather [hbm4b:s1+s3], $0x80, v4, vm0, $0xb8;
	[tilespmem:$0x10200] =	vst v63  }
0x7c: {  	_ = 	snop  }
0x7d: {  	[tilespmem:s11], [sflag:$0x2] =	stream.indirect_vreg.gather [hbm4b:s1+s3], $0x80, v3, vm0, $0xb8;
	[tilespmem:$0x10200] =	vst v63  }
0x7e: {  	v3 =	vld [tilespmem:$0xA0];
	_ =	sdelay $0x4  }
0x7f: {  	v42 =	vshll.u32 v3, $0x1  }
0x80: {  	v3 =	vand.u32 $0x7, v3;
	v4 =	vand.u32 $0xFFFFFFF0, v42  }
0x81: {  	v3 =	vor.u32 v3, v4  }
0x82: {  	v4 =	vperm.xlane v3, v0;
	_ =	sdelay $0x1  }
0x83: {  	v3 =	vperm.xlane v3, v2;
	v4 =	vadd.s32 v1, v4;
	_ =	sdelay $0x1  }
0x84: {  	v3 =	vadd.s32 v1, v3;
	_ =	sdelay $0x1  }
0x85: {  	s6 =	simm.s32 $0xA200  }
0x86: {  	[tilespmem:s6], [sflag:$0x2] =	stream.indirect_vreg.gather [hbm4b:s1+s3], $0x80, v4, vm0, $0xb8;
	[tilespmem:$0x10200] =	vst v63  }
0x87: {  	_ = 	snop  }
0x88: {  	[tilespmem:s13], [sflag:$0x2] =	stream.indirect_vreg.gather [hbm4b:s1+s3], $0x80, v3, vm0, $0xb8;
	[tilespmem:$0x10200] =	vst v63  }
0x89: {  	v3 =	vld [tilespmem:$0xB0];
	_ =	sdelay $0x4  }
0x8a: {  	v43 =	vshll.u32 v3, $0x1  }
0x8b: {  	v3 =	vand.u32 $0x7, v3;
	v4 =	vand.u32 $0xFFFFFFF0, v43  }
0x8c: {  	v3 =	vor.u32 v3, v4  }
0x8d: {  	v4 =	vperm.xlane v3, v0;
	_ =	sdelay $0x1  }
0x8e: {  	v3 =	vperm.xlane v3, v2;
	v4 =	vadd.s32 v1, v4;
	_ =	sdelay $0x1  }
0x8f: {  	v3 =	vadd.s32 v1, v3;
	_ =	sdelay $0x1  }
0x90: {  	s6 =	simm.s32 $0xB200  }
0x91: {  	[tilespmem:s6], [sflag:$0x2] =	stream.indirect_vreg.gather [hbm4b:s1+s3], $0x80, v4, vm0, $0xb8;
	[tilespmem:$0x10200] =	vst v63  }
0x92: {  	_ = 	snop  }
0x93: {  	[tilespmem:s7], [sflag:$0x2] =	stream.indirect_vreg.gather [hbm4b:s1+s3], $0x80, v3, vm0, $0xb8;
	[tilespmem:$0x10200] =	vst v63  }
0x94: {  	v3 =	vld [tilespmem:$0xC0];
	_ =	sdelay $0x4  }
0x95: {  	v44 =	vshll.u32 v3, $0x1  }
0x96: {  	v3 =	vand.u32 $0x7, v3;
	v4 =	vand.u32 $0xFFFFFFF0, v44  }
0x97: {  	v3 =	vor.u32 v3, v4  }
0x98: {  	v4 =	vperm.xlane v3, v0;
	_ =	sdelay $0x1  }
0x99: {  	v3 =	vperm.xlane v3, v2;
	v4 =	vadd.s32 v1, v4;
	_ =	sdelay $0x1  }
0x9a: {  	v3 =	vadd.s32 v1, v3;
	_ =	sdelay $0x1  }
0x9b: {  	s12 =	simm.s32 $0xC200  }
0x9c: {  	[tilespmem:s12], [sflag:$0x2] =	stream.indirect_vreg.gather [hbm4b:s1+s3], $0x80, v4, vm0, $0xb8;
	[tilespmem:$0x10200] =	vst v63  }
0x9d: {  	s12 =	simm.s32 $0xCA00  }
0x9e: {  	[tilespmem:s12], [sflag:$0x2] =	stream.indirect_vreg.gather [hbm4b:s1+s3], $0x80, v3, vm0, $0xb8;
	[tilespmem:$0x10200] =	vst v63  }
0x9f: {  	v3 =	vld [tilespmem:$0xD0];
	_ =	sdelay $0x4  }
0xa0: {  	v45 =	vshll.u32 v3, $0x1  }
0xa1: {  	v3 =	vand.u32 $0x7, v3;
	v4 =	vand.u32 $0xFFFFFFF0, v45  }
0xa2: {  	v3 =	vor.u32 v3, v4  }
0xa3: {  	v4 =	vperm.xlane v3, v0;
	_ =	sdelay $0x1  }
0xa4: {  	v3 =	vperm.xlane v3, v2;
	v4 =	vadd.s32 v1, v4;
	_ =	sdelay $0x1  }
0xa5: {  	v3 =	vadd.s32 v1, v3;
	_ =	sdelay $0x1  }
0xa6: {  	s12 =	simm.s32 $0xD200  }
0xa7: {  	[tilespmem:s12], [sflag:$0x2] =	stream.indirect_vreg.gather [hbm4b:s1+s3], $0x80, v4, vm0, $0xb8;
	[tilespmem:$0x10200] =	vst v63  }
0xa8: {  	s12 =	simm.s32 $0xDA00  }
0xa9: {  	[tilespmem:s12], [sflag:$0x2] =	stream.indirect_vreg.gather [hbm4b:s1+s3], $0x80, v3, vm0, $0xb8;
	[tilespmem:$0x10200] =	vst v63  }
0xaa: {  	v3 =	vld [tilespmem:$0xE0];
	_ =	sdelay $0x4  }
0xab: {  	v46 =	vshll.u32 v3, $0x1  }
0xac: {  	v3 =	vand.u32 $0x7, v3;
	v4 =	vand.u32 $0xFFFFFFF0, v46  }
0xad: {  	v3 =	vor.u32 v3, v4  }
0xae: {  	v4 =	vperm.xlane v3, v0;
	_ =	sdelay $0x1  }
0xaf: {  	v3 =	vperm.xlane v3, v2;
	v4 =	vadd.s32 v1, v4;
	_ =	sdelay $0x1  }
0xb0: {  	v3 =	vadd.s32 v1, v3;
	_ =	sdelay $0x1  }
0xb1: {  	s12 =	simm.s32 $0xE200  }
0xb2: {  	[tilespmem:s12], [sflag:$0x2] =	stream.indirect_vreg.gather [hbm4b:s1+s3], $0x80, v4, vm0, $0xb8;
	[tilespmem:$0x10200] =	vst v63  }
0xb3: {  	s12 =	simm.s32 $0xEA00  }
0xb4: {  	[tilespmem:s12], [sflag:$0x2] =	stream.indirect_vreg.gather [hbm4b:s1+s3], $0x80, v3, vm0, $0xb8;
	[tilespmem:$0x10200] =	vst v63  }
0xb5: {  	v3 =	vld [tilespmem:$0xF0];
	_ =	sdelay $0x4  }
0xb6: {  	v47 =	vshll.u32 v3, $0x1  }
0xb7: {  	v3 =	vand.u32 $0x7, v3;
	v4 =	vand.u32 $0xFFFFFFF0, v47  }
0xb8: {  	v3 =	vor.u32 v3, v4  }
0xb9: {  	v4 =	vperm.xlane v3, v0;
	_ =	sdelay $0x1  }
0xba: {  	v3 =	vperm.xlane v3, v2;
	v4 =	vadd.s32 v1, v4;
	_ =	sdelay $0x1  }
0xbb: {  	v3 =	vadd.s32 v1, v3;
	_ =	sdelay $0x1  }
0xbc: {  	s12 =	simm.s32 $0xF200  }
0xbd: {  	[tilespmem:s12], [sflag:$0x2] =	stream.indirect_vreg.gather [hbm4b:s1+s3], $0x80, v4, vm0, $0xb8;
	[tilespmem:$0x10200] =	vst v63  }
0xbe: {  	s12 =	simm.s32 $0xFA00  }
0xbf: {  	[tilespmem:s12], [sflag:$0x2] =	stream.indirect_vreg.gather [hbm4b:s1+s3], $0x80, v3, vm0, $0xb8;
	[tilespmem:$0x10200] =	vst v63  }
0xc0: {  	_ =	swait.ge [sflag:s4], $0x8000  }
0xc1: {  	[sflag:s4] =	ssyncset.done $0x0  }
0xc2: {  	s12 =	rddreg [dreg:$0x8];
	[sflag:s4] =	ssyncadd.s32 $0xFFFF8000  }
0xc3: {  	[hbm4b:s12+s3] =	stream.linear.scatter [tilespmem:s23], [sflag:$0x3], $0x8000, $0x38;
	[tilespmem:$0x10200] =	vst v63  }
0xc4: {  	_ =	swait.ge [sflag:s15], $0x8000  }
0xc5: {  	[sflag:s15] =	ssyncset.done $0x0  }
0xc6: {  	[sflag:s15] =	ssyncadd.s32 $0xFFFF8000  }
0xc7: {  	v3 =	vld [tilespmem:$0x100];
	_ =	sdelay $0x4  }
0xc8: {  	v48 =	vshll.u32 v3, $0x1  }
0xc9: {  	v3 =	vand.u32 $0x7, v3;
	v4 =	vand.u32 $0xFFFFFFF0, v48  }
0xca: {  	v3 =	vor.u32 v3, v4  }
0xcb: {  	v4 =	vperm.xlane v3, v0;
	_ =	sdelay $0x1  }
0xcc: {  	v3 =	vperm.xlane v3, v2;
	v4 =	vadd.s32 v1, v4;
	_ =	sdelay $0x1  }
0xcd: {  	v3 =	vadd.s32 v1, v3;
	_ =	sdelay $0x2  }
0xce: {  	[tilespmem:s23], [sflag:$0x1] =	stream.indirect_vreg.gather [hbm4b:s1+s3], $0x80, v4, vm0, $0xb8;
	[tilespmem:$0x10200] =	vst v63  }
0xcf: {  	_ = 	snop  }
0xd0: {  	[tilespmem:s18], [sflag:$0x1] =	stream.indirect_vreg.gather [hbm4b:s1+s3], $0x80, v3, vm0, $0xb8;
	[tilespmem:$0x10200] =	vst v63  }
0xd1: {  	v3 =	vld [tilespmem:$0x110];
	_ =	sdelay $0x4  }
0xd2: {  	v49 =	vshll.u32 v3, $0x1  }
0xd3: {  	v3 =	vand.u32 $0x7, v3;
	v4 =	vand.u32 $0xFFFFFFF0, v49  }
0xd4: {  	v3 =	vor.u32 v3, v4  }
0xd5: {  	v4 =	vperm.xlane v3, v0;
	_ =	sdelay $0x1  }
0xd6: {  	v3 =	vperm.xlane v3, v2;
	v4 =	vadd.s32 v1, v4;
	_ =	sdelay $0x1  }
0xd7: {  	v3 =	vadd.s32 v1, v3;
	_ =	sdelay $0x2  }
0xd8: {  	[tilespmem:s19], [sflag:$0x1] =	stream.indirect_vreg.gather [hbm4b:s1+s3], $0x80, v4, vm0, $0xb8;
	[tilespmem:$0x10200] =	vst v63  }
0xd9: {  	_ = 	snop  }
0xda: {  	[tilespmem:s20], [sflag:$0x1] =	stream.indirect_vreg.gather [hbm4b:s1+s3], $0x80, v3, vm0, $0xb8;
	[tilespmem:$0x10200] =	vst v63  }
0xdb: {  	v3 =	vld [tilespmem:$0x120];
	_ =	sdelay $0x4  }
0xdc: {  	v50 =	vshll.u32 v3, $0x1  }
0xdd: {  	v3 =	vand.u32 $0x7, v3;
	v4 =	vand.u32 $0xFFFFFFF0, v50  }
0xde: {  	v3 =	vor.u32 v3, v4  }
0xdf: {  	v4 =	vperm.xlane v3, v0;
	_ =	sdelay $0x1  }
0xe0: {  	v3 =	vperm.xlane v3, v2;
	v4 =	vadd.s32 v1, v4;
	_ =	sdelay $0x1  }
0xe1: {  	v3 =	vadd.s32 v1, v3;
	_ =	sdelay $0x2  }
0xe2: {  	[tilespmem:s21], [sflag:$0x1] =	stream.indirect_vreg.gather [hbm4b:s1+s3], $0x80, v4, vm0, $0xb8;
	[tilespmem:$0x10200] =	vst v63  }
0xe3: {  	_ = 	snop  }
0xe4: {  	[tilespmem:s22], [sflag:$0x1] =	stream.indirect_vreg.gather [hbm4b:s1+s3], $0x80, v3, vm0, $0xb8;
	[tilespmem:$0x10200] =	vst v63  }
0xe5: {  	v3 =	vld [tilespmem:$0x130];
	_ =	sdelay $0x4  }
0xe6: {  	v51 =	vshll.u32 v3, $0x1  }
0xe7: {  	v3 =	vand.u32 $0x7, v3;
	v4 =	vand.u32 $0xFFFFFFF0, v51  }
0xe8: {  	v3 =	vor.u32 v3, v4  }
0xe9: {  	v4 =	vperm.xlane v3, v0;
	_ =	sdelay $0x1  }
0xea: {  	v3 =	vperm.xlane v3, v2;
	v4 =	vadd.s32 v1, v4;
	_ =	sdelay $0x1  }
0xeb: {  	v3 =	vadd.s32 v1, v3;
	_ =	sdelay $0x2  }
0xec: {  	[tilespmem:s24], [sflag:$0x1] =	stream.indirect_vreg.gather [hbm4b:s1+s3], $0x80, v4, vm0, $0xb8;
	[tilespmem:$0x10200] =	vst v63  }
0xed: {  	_ = 	snop  }
0xee: {  	[tilespmem:s25], [sflag:$0x1] =	stream.indirect_vreg.gather [hbm4b:s1+s3], $0x80, v3, vm0, $0xb8;
	[tilespmem:$0x10200] =	vst v63  }
0xef: {  	v3 =	vld [tilespmem:$0x140];
	_ =	sdelay $0x4  }
0xf0: {  	v52 =	vshll.u32 v3, $0x1  }
0xf1: {  	v3 =	vand.u32 $0x7, v3;
	v4 =	vand.u32 $0xFFFFFFF0, v52  }
0xf2: {  	v3 =	vor.u32 v3, v4  }
0xf3: {  	v4 =	vperm.xlane v3, v0;
	_ =	sdelay $0x1  }
0xf4: {  	v3 =	vperm.xlane v3, v2;
	v4 =	vadd.s32 v1, v4;
	_ =	sdelay $0x1  }
0xf5: {  	v3 =	vadd.s32 v1, v3;
	_ =	sdelay $0x2  }
0xf6: {  	[tilespmem:s26], [sflag:$0x1] =	stream.indirect_vreg.gather [hbm4b:s1+s3], $0x80, v4, vm0, $0xb8;
	[tilespmem:$0x10200] =	vst v63  }
0xf7: {  	_ = 	snop  }
0xf8: {  	[tilespmem:s28], [sflag:$0x1] =	stream.indirect_vreg.gather [hbm4b:s1+s3], $0x80, v3, vm0, $0xb8;
	[tilespmem:$0x10200] =	vst v63  }
0xf9: {  	v3 =	vld [tilespmem:$0x150];
	_ =	sdelay $0x4  }
0xfa: {  	v53 =	vshll.u32 v3, $0x1  }
0xfb: {  	v3 =	vand.u32 $0x7, v3;
	v4 =	vand.u32 $0xFFFFFFF0, v53  }
0xfc: {  	v3 =	vor.u32 v3, v4  }
0xfd: {  	v4 =	vperm.xlane v3, v0;
	_ =	sdelay $0x1  }
0xfe: {  	v3 =	vperm.xlane v3, v2;
	v4 =	vadd.s32 v1, v4;
	_ =	sdelay $0x1  }
0xff: {  	v3 =	vadd.s32 v1, v3;
	_ =	sdelay $0x2  }
0x100: {  	[tilespmem:s29], [sflag:$0x1] =	stream.indirect_vreg.gather [hbm4b:s1+s3], $0x80, v4, vm0, $0xb8;
	[tilespmem:$0x10200] =	vst v63  }
0x101: {  	_ = 	snop  }
0x102: {  	[tilespmem:s30], [sflag:$0x1] =	stream.indirect_vreg.gather [hbm4b:s1+s3], $0x80, v3, vm0, $0xb8;
	[tilespmem:$0x10200] =	vst v63  }
0x103: {  	v3 =	vld [tilespmem:$0x160];
	_ =	sdelay $0x4  }
0x104: {  	v54 =	vshll.u32 v3, $0x1  }
0x105: {  	v3 =	vand.u32 $0x7, v3;
	v4 =	vand.u32 $0xFFFFFFF0, v54  }
0x106: {  	v3 =	vor.u32 v3, v4  }
0x107: {  	v4 =	vperm.xlane v3, v0;
	_ =	sdelay $0x1  }
0x108: {  	v3 =	vperm.xlane v3, v2;
	v4 =	vadd.s32 v1, v4;
	_ =	sdelay $0x1  }
0x109: {  	v3 =	vadd.s32 v1, v3;
	_ =	sdelay $0x2  }
0x10a: {  	[tilespmem:s31], [sflag:$0x1] =	stream.indirect_vreg.gather [hbm4b:s1+s3], $0x80, v4, vm0, $0xb8;
	[tilespmem:$0x10200] =	vst v63  }
0x10b: {  	_ = 	snop  }
0x10c: {  	[tilespmem:s2], [sflag:$0x1] =	stream.indirect_vreg.gather [hbm4b:s1+s3], $0x80, v3, vm0, $0xb8;
	[tilespmem:$0x10200] =	vst v63  }
0x10d: {  	v3 =	vld [tilespmem:$0x170];
	_ =	sdelay $0x4  }
0x10e: {  	v55 =	vshll.u32 v3, $0x1  }
0x10f: {  	v3 =	vand.u32 $0x7, v3;
	v4 =	vand.u32 $0xFFFFFFF0, v55  }
0x110: {  	v3 =	vor.u32 v3, v4  }
0x111: {  	v4 =	vperm.xlane v3, v0;
	_ =	sdelay $0x1  }
0x112: {  	v3 =	vperm.xlane v3, v2;
	v4 =	vadd.s32 v1, v4;
	_ =	sdelay $0x1  }
0x113: {  	v3 =	vadd.s32 v1, v3;
	_ =	sdelay $0x2  }
0x114: {  	[tilespmem:s0], [sflag:$0x1] =	stream.indirect_vreg.gather [hbm4b:s1+s3], $0x80, v4, vm0, $0xb8;
	[tilespmem:$0x10200] =	vst v63  }
0x115: {  	_ = 	snop  }
0x116: {  	[tilespmem:s8], [sflag:$0x1] =	stream.indirect_vreg.gather [hbm4b:s1+s3], $0x80, v3, vm0, $0xb8;
	[tilespmem:$0x10200] =	vst v63  }
0x117: {  	_ =	swait.ge [sflag:s16], $0x8000  }
0x118: {  	[sflag:s16] =	ssyncset.done $0x0  }
0x119: {  	s0 =	rddreg [dreg:$0x5];
	[sflag:s16] =	ssyncadd.s32 $0xFFFF8000  }
0x11a: {  	[hbm4b:s0+s3] =	stream.linear.scatter [tilespmem:s14], [sflag:$0x4], $0x8000, $0x38;
	[tilespmem:$0x10200] =	vst v63  }
0x11b: {  	_ =	swait.ge [sflag:s17], $0x8000  }
0x11c: {  	[sflag:s17] =	ssyncset.done $0x0  }
0x11d: {  	[sflag:s17] =	ssyncadd.s32 $0xFFFF8000  }
0x11e: {  	v3 =	vld [tilespmem:$0x180];
	_ =	sdelay $0x4  }
0x11f: {  	v56 =	vshll.u32 v3, $0x1  }
0x120: {  	v3 =	vand.u32 $0x7, v3;
	v4 =	vand.u32 $0xFFFFFFF0, v56  }
0x121: {  	v3 =	vor.u32 v3, v4  }
0x122: {  	v4 =	vperm.xlane v3, v0;
	_ =	sdelay $0x1  }
0x123: {  	v3 =	vperm.xlane v3, v2;
	v4 =	vadd.s32 v1, v4;
	_ =	sdelay $0x1  }
0x124: {  	v3 =	vadd.s32 v1, v3;
	_ =	sdelay $0x2  }
0x125: {  	[tilespmem:s14], [sflag:$0x2] =	stream.indirect_vreg.gather [hbm4b:s1+s3], $0x80, v4, vm0, $0xb8;
	[tilespmem:$0x10200] =	vst v63  }
0x126: {  	_ = 	snop  }
0x127: {  	[tilespmem:s9], [sflag:$0x2] =	stream.indirect_vreg.gather [hbm4b:s1+s3], $0x80, v3, vm0, $0xb8;
	[tilespmem:$0x10200] =	vst v63  }
0x128: {  	v3 =	vld [tilespmem:$0x190];
	_ =	sdelay $0x4  }
0x129: {  	v57 =	vshll.u32 v3, $0x1  }
0x12a: {  	v3 =	vand.u32 $0x7, v3;
	v4 =	vand.u32 $0xFFFFFFF0, v57  }
0x12b: {  	v3 =	vor.u32 v3, v4  }
0x12c: {  	v4 =	vperm.xlane v3, v0;
	_ =	sdelay $0x1  }
0x12d: {  	v3 =	vperm.xlane v3, v2;
	v4 =	vadd.s32 v1, v4;
	_ =	sdelay $0x1  }
0x12e: {  	v3 =	vadd.s32 v1, v3;
	_ =	sdelay $0x2  }
0x12f: {  	[tilespmem:s10], [sflag:$0x2] =	stream.indirect_vreg.gather [hbm4b:s1+s3], $0x80, v4, vm0, $0xb8;
	[tilespmem:$0x10200] =	vst v63  }
0x130: {  	_ = 	snop  }
0x131: {  	[tilespmem:s11], [sflag:$0x2] =	stream.indirect_vreg.gather [hbm4b:s1+s3], $0x80, v3, vm0, $0xb8;
	[tilespmem:$0x10200] =	vst v63  }
0x132: {  	v3 =	vld [tilespmem:$0x1A0];
	_ =	sdelay $0x4  }
0x133: {  	v58 =	vshll.u32 v3, $0x1  }
0x134: {  	v3 =	vand.u32 $0x7, v3;
	v4 =	vand.u32 $0xFFFFFFF0, v58  }
0x135: {  	v3 =	vor.u32 v3, v4  }
0x136: {  	v4 =	vperm.xlane v3, v0;
	_ =	sdelay $0x1  }
0x137: {  	v3 =	vperm.xlane v3, v2;
	v4 =	vadd.s32 v1, v4;
	_ =	sdelay $0x1  }
0x138: {  	v3 =	vadd.s32 v1, v3;
	_ =	sdelay $0x1  }
0x139: {  	s18 =	simm.s32 $0xA200  }
0x13a: {  	[tilespmem:s18], [sflag:$0x2] =	stream.indirect_vreg.gather [hbm4b:s1+s3], $0x80, v4, vm0, $0xb8;
	[tilespmem:$0x10200] =	vst v63  }
0x13b: {  	_ = 	snop  }
0x13c: {  	[tilespmem:s13], [sflag:$0x2] =	stream.indirect_vreg.gather [hbm4b:s1+s3], $0x80, v3, vm0, $0xb8;
	[tilespmem:$0x10200] =	vst v63  }
0x13d: {  	v3 =	vld [tilespmem:$0x1B0];
	_ =	sdelay $0x4  }
0x13e: {  	v59 =	vshll.u32 v3, $0x1  }
0x13f: {  	v3 =	vand.u32 $0x7, v3;
	v4 =	vand.u32 $0xFFFFFFF0, v59  }
0x140: {  	v3 =	vor.u32 v3, v4  }
0x141: {  	v4 =	vperm.xlane v3, v0;
	_ =	sdelay $0x1  }
0x142: {  	v3 =	vperm.xlane v3, v2;
	v4 =	vadd.s32 v1, v4;
	_ =	sdelay $0x1  }
0x143: {  	v3 =	vadd.s32 v1, v3;
	_ =	sdelay $0x2  }
0x144: {  	[tilespmem:s6], [sflag:$0x2] =	stream.indirect_vreg.gather [hbm4b:s1+s3], $0x80, v4, vm0, $0xb8;
	[tilespmem:$0x10200] =	vst v63  }
0x145: {  	_ = 	snop  }
0x146: {  	[tilespmem:s7], [sflag:$0x2] =	stream.indirect_vreg.gather [hbm4b:s1+s3], $0x80, v3, vm0, $0xb8;
	[tilespmem:$0x10200] =	vst v63  }
0x147: {  	v3 =	vld [tilespmem:$0x1C0];
	_ =	sdelay $0x4  }
0x148: {  	v60 =	vshll.u32 v3, $0x1  }
0x149: {  	v3 =	vand.u32 $0x7, v3;
	v4 =	vand.u32 $0xFFFFFFF0, v60  }
0x14a: {  	v3 =	vor.u32 v3, v4  }
0x14b: {  	v4 =	vperm.xlane v3, v0;
	_ =	sdelay $0x1  }
0x14c: {  	v3 =	vperm.xlane v3, v2;
	v4 =	vadd.s32 v1, v4;
	_ =	sdelay $0x1  }
0x14d: {  	v3 =	vadd.s32 v1, v3;
	_ =	sdelay $0x1  }
0x14e: {  	s6 =	simm.s32 $0xC200  }
0x14f: {  	[tilespmem:s6], [sflag:$0x2] =	stream.indirect_vreg.gather [hbm4b:s1+s3], $0x80, v4, vm0, $0xb8;
	[tilespmem:$0x10200] =	vst v63  }
0x150: {  	s18 =	simm.s32 $0xCA00  }
0x151: {  	[tilespmem:s18], [sflag:$0x2] =	stream.indirect_vreg.gather [hbm4b:s1+s3], $0x80, v3, vm0, $0xb8;
	[tilespmem:$0x10200] =	vst v63  }
0x152: {  	v3 =	vld [tilespmem:$0x1D0];
	_ =	sdelay $0x4  }
0x153: {  	v61 =	vshll.u32 v3, $0x1  }
0x154: {  	v3 =	vand.u32 $0x7, v3;
	v4 =	vand.u32 $0xFFFFFFF0, v61  }
0x155: {  	v3 =	vor.u32 v3, v4  }
0x156: {  	v4 =	vperm.xlane v3, v0;
	_ =	sdelay $0x1  }
0x157: {  	v3 =	vperm.xlane v3, v2;
	v4 =	vadd.s32 v1, v4;
	_ =	sdelay $0x1  }
0x158: {  	v3 =	vadd.s32 v1, v3;
	_ =	sdelay $0x1  }
0x159: {  	s6 =	simm.s32 $0xD200  }
0x15a: {  	[tilespmem:s6], [sflag:$0x2] =	stream.indirect_vreg.gather [hbm4b:s1+s3], $0x80, v4, vm0, $0xb8;
	[tilespmem:$0x10200] =	vst v63  }
0x15b: {  	s18 =	simm.s32 $0xDA00  }
0x15c: {  	[tilespmem:s18], [sflag:$0x2] =	stream.indirect_vreg.gather [hbm4b:s1+s3], $0x80, v3, vm0, $0xb8;
	[tilespmem:$0x10200] =	vst v63  }
0x15d: {  	v3 =	vld [tilespmem:$0x1E0];
	_ =	sdelay $0x4  }
0x15e: {  	v62 =	vshll.u32 v3, $0x1  }
0x15f: {  	v3 =	vand.u32 $0x7, v3;
	v4 =	vand.u32 $0xFFFFFFF0, v62  }
0x160: {  	v3 =	vor.u32 v3, v4  }
0x161: {  	v4 =	vperm.xlane v3, v0;
	_ =	sdelay $0x1  }
0x162: {  	v3 =	vperm.xlane v3, v2;
	v4 =	vadd.s32 v1, v4;
	_ =	sdelay $0x1  }
0x163: {  	v3 =	vadd.s32 v1, v3;
	_ =	sdelay $0x1  }
0x164: {  	s6 =	simm.s32 $0xE200  }
0x165: {  	[tilespmem:s6], [sflag:$0x2] =	stream.indirect_vreg.gather [hbm4b:s1+s3], $0x80, v4, vm0, $0xb8;
	[tilespmem:$0x10200] =	vst v63  }
0x166: {  	s18 =	simm.s32 $0xEA00  }
0x167: {  	[tilespmem:s18], [sflag:$0x2] =	stream.indirect_vreg.gather [hbm4b:s1+s3], $0x80, v3, vm0, $0xb8;
	[tilespmem:$0x10200] =	vst v63  }
0x168: {  	v3 =	vld [tilespmem:$0x1F0];
	_ =	sdelay $0x4  }
0x169: {  	v63 =	vshll.u32 v3, $0x1  }
0x16a: {  	v3 =	vand.u32 $0x7, v3;
	v4 =	vand.u32 $0xFFFFFFF0, v63  }
0x16b: {  	v3 =	vor.u32 v3, v4  }
0x16c: {  	v4 =	vperm.xlane v3, v0;
	_ =	sdelay $0x1  }
0x16d: {  	v3 =	vperm.xlane v3, v2;
	v4 =	vadd.s32 v1, v4;
	_ =	sdelay $0x1  }
0x16e: {  	v3 =	vadd.s32 v1, v3;
	_ =	sdelay $0x1  }
0x16f: {  	s6 =	simm.s32 $0xF200  }
0x170: {  	[tilespmem:s6], [sflag:$0x2] =	stream.indirect_vreg.gather [hbm4b:s1+s3], $0x80, v4, vm0, $0xb8;
	[tilespmem:$0x10200] =	vst v63  }
0x171: {  	s18 =	simm.s32 $0xFA00  }
0x172: {  	[tilespmem:s18], [sflag:$0x2] =	stream.indirect_vreg.gather [hbm4b:s1+s3], $0x80, v3, vm0, $0xb8;
	[tilespmem:$0x10200] =	vst v63  }
0x173: {  	_ =	swait.ge [sflag:s4], $0x8000  }
0x174: {  	[sflag:s4] =	ssyncset.done $0x0  }
0x175: {  	s12 =	simm.s32 $0x200;
	s6 =	rddreg [dreg:$0x6];
	[sflag:s4] =	ssyncadd.s32 $0xFFFF8000  }
0x176: {  	[hbm4b:s6+s3] =	stream.linear.scatter [tilespmem:s12], [sflag:$0x3], $0x8000, $0x38;
	[tilespmem:$0x10200] =	vst v63  }
0x177: {  	_ =	swait.ge [sflag:s16], $0x8000  }
0x178: {  	[sflag:s16] =	ssyncset.done $0x0  }
0x179: {  	s12 =	rddreg [dreg:$0x7];
	[sflag:s16] =	ssyncadd.s32 $0xFFFF8000  }
0x17a: {  	[hbm4b:s12+s3] =	stream.linear.scatter [tilespmem:s14], [sflag:$0x4], $0x8000, $0x38;
	[tilespmem:$0x10200] =	vst v63  }
0x17b: {  	p0 =	sne.s32 s5, $0x1;
	_ =	swait.ge [sflag:s15], $0x8000  }
.Ltmp0:
0x17c: {  	[sflag:s15] =	ssyncset.done $0x0;
	(pc) =	sbr.rel @p0 .LBB2_1-.Ltmp0, $4  }
0x17d: {  	[sflag:s15] =	ssyncadd.s32 $0xFFFF8000  }
0x17e: {  	_ =	swait.ge [sflag:s17], $0x8000  }
0x17f: {  	[sflag:s17] =	ssyncset.done $0x0  }
0x180: {  	s5 =	sadd.s32 $0xFFFFFFFF, s5;
	[sflag:s17] =	ssyncadd.s32 $0xFFFF8000  }
0x181: {  	_ =	sfence.sel $0x180000  }
0x182: {  	[bflag:$0x0] =	sbarrier.arrive $0xFFFF  }
0x183: {  	_ =	strace $0x90000047  }
0x184: {  	s0 =	stileid.u32;
	[bflag:$0x2] =	sbarrier.arrive $0xFFFF  }
0x185: {  	p0 =	sne.s32 s0, $0x0;
	s0 =	rddreg [dreg:$0x3]  }
0x186: {  	s0 =	sadd.s32 @!p0 $0x100000, s0  }
0x187: {  	[sflag:s0] =	ssyncadd.tile.s32 @!p0 $0x1;
	_ =	shalt  }
.Lfunc_end2:
_tile_overlayer_lowered:
.L_overlay_start_2:
0x188: {  	(tag) =	ssettag $0x2  }
0x189: {  	s0 =	rddreg [dreg:$0x0];
	s2 =	stileid.u32  }
0x18a: {  	s1 =	rddreg [dreg:$0x1];
	p0 =	sne.s32 s2, $0x0  }
0x18b: {  	s3 =	rddreg [dreg:$0x2];
	[bflag:$0x3] =	sbarrier.arrive $0xFFFF;
	s2 =	simm.s32 @!p0 $0x1C05  }
0x18c: {  	[timem:s3], [sflag:s2] =	dma.local @!p0 [hbm:s0], s1  }
0x18d: {  	s0 =	simm.s32 @!p0 $0x5  }
0x18e: {  	_ =	swait.ge @!p0 [sflag:s0], s1  }
0x18f: {  	s1 =	ssub.s32 @!p0 $0x0, s1;
	[sflag:s0] =	ssyncset.done @!p0 $0x0  }
0x190: {  	[sflag:s0] =	ssyncadd.s32 @!p0 s1  }
0x191: {  	[bflag:$0x3] =	sbarrier.arrive $0xFFFF  }
0x192: {  	_ =	shalt  }

</sc_bundles>
